<compile_context>
chip_gen: v7x
topology: tpu7x:2x2x1
jax: 0.10.2.dev20260603
libtpu: 0.0.44.dev20260713+nightly
codegen_flags: <defaults>
</compile_context>

<pallas_src>
import functools

import jax
import jax.numpy as jnp
from jax import lax
from jax.experimental import pallas as pl
from jax.experimental.pallas import tpu as pltpu
from jax.experimental.pallas import tpu_sc as plsc

HEAD_DIM = 128
CHUNK = 128
NBUF = 3


def _rope_gather_fn(B, S, NC, NS):
    mesh = plsc.VectorSubcoreMesh(core_axis_name="c", subcore_axis_name="s")
    N = B * S
    NW = NC * NS
    per_w = N // NW
    blocks = S // per_w
    chunks_per_w = per_w // CHUNK

    @functools.partial(
        pl.kernel,
        mesh=mesh,
        out_type=(
            jax.ShapeDtypeStruct((N, HEAD_DIM), jnp.float32),
            jax.ShapeDtypeStruct((N, HEAD_DIM), jnp.float32),
        ),
        scratch_types=[
            pltpu.VMEM((per_w,), jnp.int32),
            pltpu.VMEM((NBUF, CHUNK, HEAD_DIM), jnp.float32),
            pltpu.VMEM((NBUF, CHUNK, HEAD_DIM), jnp.float32),
        ]
        + [pltpu.SemaphoreType.DMA] * (4 * NBUF),
    )
    def body(idx_hbm, cos_hbm, sin_hbm, cos_out, sin_out,
             idx_v, cos_v, sin_v, *sems):
        gsc, gss = sems[:NBUF], sems[NBUF:2 * NBUF]
        wsc, wss = sems[2 * NBUF:3 * NBUF], sems[3 * NBUF:]
        wid = lax.axis_index("s") * NC + lax.axis_index("c")
        batch = wid // blocks
        col0 = (wid % blocks) * per_w
        row0 = wid * per_w
        pltpu.sync_copy(idx_hbm.at[batch, pl.ds(col0, per_w)], idx_v)

        def issue_gather(j):
            b = j % NBUF
            ids = idx_v.at[pl.ds(j * CHUNK, CHUNK)]
            return (
                pltpu.async_copy(cos_hbm.at[ids], cos_v.at[b], gsc[b]),
                pltpu.async_copy(sin_hbm.at[ids], sin_v.at[b], gss[b]),
            )

        pending_g = [None] * NBUF
        pending_w = [None] * NBUF
        for j in range(min(NBUF - 1, chunks_per_w)):
            pending_g[j % NBUF] = issue_gather(j)
        for j in range(chunks_per_w):
            b = j % NBUF
            jn = j + NBUF - 1
            if jn < chunks_per_w:
                nb = jn % NBUF
                if pending_w[nb] is not None:
                    for d in pending_w[nb]:
                        d.wait()
                    pending_w[nb] = None
                pending_g[nb] = issue_gather(jn)
            base = row0 + j * CHUNK
            gc, gs = pending_g[b]
            gc.wait()
            wc = pltpu.async_copy(cos_v.at[b], cos_out.at[pl.ds(base, CHUNK)],
                                  wsc[b])
            gs.wait()
            ws = pltpu.async_copy(sin_v.at[b], sin_out.at[pl.ds(base, CHUNK)],
                                  wss[b])
            pending_g[b] = None
            pending_w[b] = (wc, ws)
        for w in pending_w:
            if w is not None:
                for d in w:
                    d.wait()

    return body


def kernel(position_ids, cos_emb, sin_emb):
    B, S = position_ids.shape
    info = plsc.get_sparse_core_info()
    NC, NS = info.num_cores, info.num_subcores
    idx = position_ids.astype(jnp.int32)
    cos_flat, sin_flat = _rope_gather_fn(B, S, NC, NS)(idx, cos_emb, sin_emb)
    return (cos_flat.reshape(B, S, HEAD_DIM),
            sin_flat.reshape(B, S, HEAD_DIM))

# --- scband reference (transcript-rebuilt; emitter-appended) ---
"""Pipeline reference for scband-rotary-embedding-provider-19825569038987 (READ-ONLY COPY).

The authoritative reference and input builder live on the scoring server;
editing this copy changes nothing except your own understanding.
"""

import jax, jax.numpy as jnp
import numpy as np

ROPE_BASE = 10000
HEAD_DIM = 128
MAX_POSITION_IDS = 32768
BATCH = 4
SEQ_LEN = 8192


def _prepare_rope_inverse_frequencies(rope_base, inside_dim):
    power = jnp.arange(0, inside_dim, 2, dtype=jnp.int64).astype(jnp.float32) / inside_dim
    freq = jnp.asarray(rope_base, dtype=jnp.float32) ** power
    inv_freq = 1.0 / freq
    return inv_freq


def _prepare_rotary_cos_sin_emb(rope_base, head_dim, max_position_ids):
    position_ids = jnp.arange(0, max_position_ids, dtype=jnp.float32)
    freqs = _prepare_rope_inverse_frequencies(rope_base, head_dim)
    arguments = (freqs[:, None] @ position_ids[None, :]).T
    emb = jnp.concatenate((arguments, arguments), axis=-1)
    cos = jnp.cos(emb)
    sin = jnp.sin(emb)
    return cos, sin


def setup_inputs(seed: int = 0) -> dict:
    key = jax.random.key(seed)
    cos_emb, sin_emb = _prepare_rotary_cos_sin_emb(ROPE_BASE, HEAD_DIM, MAX_POSITION_IDS)
    position_ids = jax.random.randint(key, (BATCH, SEQ_LEN), 0, MAX_POSITION_IDS).astype(jnp.int64)
    return {"position_ids": position_ids, "cos_emb": cos_emb, "sin_emb": sin_emb}


def reference(position_ids, cos_emb, sin_emb):
    # Faithful translation of RotaryEmbeddingProvider.forward: pure table gather.
    cos = jnp.take(cos_emb, position_ids, axis=0)
    sin = jnp.take(sin_emb, position_ids, axis=0)
    return (cos, sin)

if __name__ == "__main__":
    import jax
    _d = setup_inputs()
    print(jax.jit(kernel)(*tuple(_d.values())))

</pallas_src>

<mosaic_0001>
#map = affine_map<(d0, d1) -> (0, 0)>
module attributes {stable_mosaic.version = 14 : i64} {
  func.func @body(%arg0: i32, %arg1: i32, %arg2: memref<4x8192xi32, #tpu.memory_space<hbm>>, %arg3: memref<32768x128xf32, #tpu.memory_space<hbm>>, %arg4: memref<32768x128xf32, #tpu.memory_space<hbm>>, %arg5: memref<32768x128xf32, #tpu.memory_space<hbm>>, %arg6: memref<32768x128xf32, #tpu.memory_space<hbm>>, %arg7: memref<1024xi32, #tpu.memory_space<vmem>>, %arg8: memref<3x128x128xf32, #tpu.memory_space<vmem>>, %arg9: memref<3x128x128xf32, #tpu.memory_space<vmem>>, %arg10: memref<!tpu.dma_semaphore, #tpu.memory_space<semaphore_mem>>, %arg11: memref<!tpu.dma_semaphore, #tpu.memory_space<semaphore_mem>>, %arg12: memref<!tpu.dma_semaphore, #tpu.memory_space<semaphore_mem>>, %arg13: memref<!tpu.dma_semaphore, #tpu.memory_space<semaphore_mem>>, %arg14: memref<!tpu.dma_semaphore, #tpu.memory_space<semaphore_mem>>, %arg15: memref<!tpu.dma_semaphore, #tpu.memory_space<semaphore_mem>>, %arg16: memref<!tpu.dma_semaphore, #tpu.memory_space<semaphore_mem>>, %arg17: memref<!tpu.dma_semaphore, #tpu.memory_space<semaphore_mem>>, %arg18: memref<!tpu.dma_semaphore, #tpu.memory_space<semaphore_mem>>, %arg19: memref<!tpu.dma_semaphore, #tpu.memory_space<semaphore_mem>>, %arg20: memref<!tpu.dma_semaphore, #tpu.memory_space<semaphore_mem>>, %arg21: memref<!tpu.dma_semaphore, #tpu.memory_space<semaphore_mem>>) attributes {dimension_semantics = [#tpu.dimension_semantics<core_parallel>, #tpu.dimension_semantics<subcore_parallel>], iteration_bounds = array<i64: 2, 16>, scalar_prefetch = 0 : i64, scratch_operands = 15 : i64, tpu.core_type = #tpu.core_type<sc_vector_subcore>, window_params = [{transform_indices = #map}, {transform_indices = #map}, {transform_indices = #map}, {transform_indices = #map}, {transform_indices = #map}]} {
    %mul3A = arith.constant 2 : i32
    %mul3A_0 = arith.muli %arg1, %mul3A : i32
    %add3A = arith.addi %mul3A_0, %arg0 : i32
    %jit3A = arith.constant 8 : i32
    %div3A = arith.divsi %add3A, %jit3A : i32
    %sign3A = arith.constant 0 : i32
    %sign3A_1 = arith.cmpi sgt, %add3A, %sign3A : i32
    %sign3A_2 = arith.extui %sign3A_1 : i1 to i32
    %sign3A_3 = arith.constant 0 : i32
    %sign3A_4 = arith.cmpi slt, %add3A, %sign3A_3 : i32
    %sign3A_5 = arith.extui %sign3A_4 : i1 to i32
    %sign3A_6 = arith.subi %sign3A_2, %sign3A_5 : i32
    %sign3A_7 = arith.constant 0 : i32
    %sign3A_8 = arith.cmpi sgt, %jit3A, %sign3A_7 : i32
    %sign3A_9 = arith.extui %sign3A_8 : i1 to i32
    %sign3A_10 = arith.constant 0 : i32
    %sign3A_11 = arith.cmpi slt, %jit3A, %sign3A_10 : i32
    %sign3A_12 = arith.extui %sign3A_11 : i1 to i32
    %sign3A_13 = arith.subi %sign3A_9, %sign3A_12 : i32
    %ne3A = arith.cmpi ne, %sign3A_6, %sign3A_13 : i32
    %rem3A = arith.remsi %add3A, %jit3A : i32
    %ne3A_14 = arith.constant 0 : i32
    %ne3A_15 = arith.cmpi ne, %rem3A, %ne3A_14 : i32
    %and3A = arith.andi %ne3A, %ne3A_15 : i1
    %sub3A = arith.constant 1 : i32
    %sub3A_16 = arith.subi %div3A, %sub3A : i32
    %select_n3A = arith.select %and3A, %sub3A_16, %div3A : i32
    %jit3A_17 = arith.constant 8 : i32
    %eq3A = arith.constant 0 : i32
    %eq3A_18 = arith.cmpi eq, %jit3A_17, %eq3A : i32
    %jit3A_19 = arith.constant 1 : i32
    %select_n3A_20 = arith.select %eq3A_18, %jit3A_19, %jit3A_17 : i32
    %rem3A_21 = arith.remsi %add3A, %select_n3A_20 : i32
    %ne3A_22 = arith.constant 0 : i32
    %ne3A_23 = arith.cmpi ne, %rem3A_21, %ne3A_22 : i32
    %lt3A = arith.constant 0 : i32
    %lt3A_24 = arith.cmpi slt, %rem3A_21, %lt3A : i32
    %lt3A_25 = arith.constant 0 : i32
    %lt3A_26 = arith.cmpi slt, %select_n3A_20, %lt3A_25 : i32
    %ne3A_27 = arith.xori %lt3A_24, %lt3A_26 : i1
    %and3A_28 = arith.andi %ne3A_27, %ne3A_23 : i1
    %add3A_29 = arith.addi %rem3A_21, %select_n3A_20 : i32
    %select_n3A_30 = arith.select %and3A_28, %add3A_29, %rem3A_21 : i32
    %mul3A_31 = arith.constant 1024 : i32
    %mul3A_32 = arith.muli %select_n3A_30, %mul3A_31 : i32
    %mul3A_33 = arith.constant 1024 : i32
    %mul3A_34 = arith.muli %add3A, %mul3A_33 : i32
    "tpu.region"() ({
      %run_scoped3A = tpu.sem_alloc : memref<!tpu.dma_semaphore, #tpu.memory_space<semaphore_mem>>
      %dma_start3A_785 = tpu.memref_slice %arg2[%select_n3A, %mul3A_32] : memref<4x8192xi32, #tpu.memory_space<hbm>> -> memref<1x1024xi32, #tpu.memory_space<hbm>>
      %dma_start3A_786 = tpu.memref_squeeze %dma_start3A_785 : memref<1x1024xi32, #tpu.memory_space<hbm>> -> memref<1024xi32, #tpu.memory_space<hbm>>
      %dma_start3A_787 = tpu.memref_slice %arg2[%select_n3A, %mul3A_32] : memref<4x8192xi32, #tpu.memory_space<hbm>> -> memref<1x1024xi32, #tpu.memory_space<hbm>>
      %dma_start3A_788 = tpu.memref_squeeze %dma_start3A_787 : memref<1x1024xi32, #tpu.memory_space<hbm>> -> memref<1024xi32, #tpu.memory_space<hbm>>
      tpu.enqueue_dma source(%dma_start3A_788 : memref<1024xi32, #tpu.memory_space<hbm>>) target(%arg7 : memref<1024xi32, #tpu.memory_space<vmem>>) target_semaphore(%run_scoped3A : memref<!tpu.dma_semaphore, #tpu.memory_space<semaphore_mem>>)
      %dma_wait3A_789 = tpu.memref_slice %arg2[%select_n3A, %mul3A_32] : memref<4x8192xi32, #tpu.memory_space<hbm>> -> memref<1x1024xi32, #tpu.memory_space<hbm>>
      %dma_wait3A_790 = tpu.memref_squeeze %dma_wait3A_789 : memref<1x1024xi32, #tpu.memory_space<hbm>> -> memref<1024xi32, #tpu.memory_space<hbm>>
      %dma_wait3A_791 = tpu.memref_slice %arg2[%select_n3A, %mul3A_32] : memref<4x8192xi32, #tpu.memory_space<hbm>> -> memref<1x1024xi32, #tpu.memory_space<hbm>>
      %dma_wait3A_792 = tpu.memref_squeeze %dma_wait3A_791 : memref<1x1024xi32, #tpu.memory_space<hbm>> -> memref<1024xi32, #tpu.memory_space<hbm>>
      tpu.wait_dma2 semaphore(%run_scoped3A : memref<!tpu.dma_semaphore, #tpu.memory_space<semaphore_mem>>) src(%dma_wait3A_792 : memref<1024xi32, #tpu.memory_space<hbm>>) dst(%arg7 : memref<1024xi32, #tpu.memory_space<vmem>>)
      tpu.yield
    }) : () -> ()
    %dma_start3A = arith.constant 0 : i32
    %dma_start3A_35 = arith.constant 0 : i32
    %dma_start3A_36 = arith.constant 0 : i32
    %dma_start3A_37 = tpu.memref_slice %arg8[%dma_start3A, %dma_start3A_35, %dma_start3A_36] : memref<3x128x128xf32, #tpu.memory_space<vmem>> -> memref<1x128x128xf32, #tpu.memory_space<vmem>>
    %dma_start3A_38 = tpu.memref_squeeze %dma_start3A_37 : memref<1x128x128xf32, #tpu.memory_space<vmem>> -> memref<128x128xf32, #tpu.memory_space<vmem>>
    %dma_start3A_39 = arith.constant 0 : i32
    %dma_start3A_40 = tpu.memref_slice %arg7[%dma_start3A_39] : memref<1024xi32, #tpu.memory_space<vmem>> -> memref<128xi32, #tpu.memory_space<vmem>>
    %dma_start3A_41 = arith.constant 0 : i32
    %dma_start3A_42 = arith.constant 0 : i32
    %dma_start3A_43 = tpu.memref_slice %arg3[%dma_start3A_41, %dma_start3A_42] : memref<32768x128xf32, #tpu.memory_space<hbm>> -> memref<32768x128xf32, #tpu.memory_space<hbm>>
    tpu.enqueue_indirect_dma source(%dma_start3A_43 : memref<32768x128xf32, #tpu.memory_space<hbm>>) target(%dma_start3A_38 : memref<128x128xf32, #tpu.memory_space<vmem>>) offsets(%dma_start3A_40 : memref<128xi32, #tpu.memory_space<vmem>>) semaphore(%arg10 : memref<!tpu.dma_semaphore, #tpu.memory_space<semaphore_mem>>)
    %dma_start3A_44 = arith.constant 0 : i32
    %dma_start3A_45 = arith.constant 0 : i32
    %dma_start3A_46 = arith.constant 0 : i32
    %dma_start3A_47 = tpu.memref_slice %arg9[%dma_start3A_44, %dma_start3A_45, %dma_start3A_46] : memref<3x128x128xf32, #tpu.memory_space<vmem>> -> memref<1x128x128xf32, #tpu.memory_space<vmem>>
    %dma_start3A_48 = tpu.memref_squeeze %dma_start3A_47 : memref<1x128x128xf32, #tpu.memory_space<vmem>> -> memref<128x128xf32, #tpu.memory_space<vmem>>
    %dma_start3A_49 = arith.constant 0 : i32
    %dma_start3A_50 = tpu.memref_slice %arg7[%dma_start3A_49] : memref<1024xi32, #tpu.memory_space<vmem>> -> memref<128xi32, #tpu.memory_space<vmem>>
    %dma_start3A_51 = arith.constant 0 : i32
    %dma_start3A_52 = arith.constant 0 : i32
    %dma_start3A_53 = tpu.memref_slice %arg4[%dma_start3A_51, %dma_start3A_52] : memref<32768x128xf32, #tpu.memory_space<hbm>> -> memref<32768x128xf32, #tpu.memory_space<hbm>>
    tpu.enqueue_indirect_dma source(%dma_start3A_53 : memref<32768x128xf32, #tpu.memory_space<hbm>>) target(%dma_start3A_48 : memref<128x128xf32, #tpu.memory_space<vmem>>) offsets(%dma_start3A_50 : memref<128xi32, #tpu.memory_space<vmem>>) semaphore(%arg13 : memref<!tpu.dma_semaphore, #tpu.memory_space<semaphore_mem>>)
    %dma_start3A_54 = arith.constant 1 : i32
    %dma_start3A_55 = arith.constant 0 : i32
    %dma_start3A_56 = arith.constant 0 : i32
    %dma_start3A_57 = tpu.memref_slice %arg8[%dma_start3A_54, %dma_start3A_55, %dma_start3A_56] : memref<3x128x128xf32, #tpu.memory_space<vmem>> -> memref<1x128x128xf32, #tpu.memory_space<vmem>>
    %dma_start3A_58 = tpu.memref_squeeze %dma_start3A_57 : memref<1x128x128xf32, #tpu.memory_space<vmem>> -> memref<128x128xf32, #tpu.memory_space<vmem>>
    %dma_start3A_59 = arith.constant 128 : i32
    %dma_start3A_60 = tpu.memref_slice %arg7[%dma_start3A_59] : memref<1024xi32, #tpu.memory_space<vmem>> -> memref<128xi32, #tpu.memory_space<vmem>>
    %dma_start3A_61 = arith.constant 0 : i32
    %dma_start3A_62 = arith.constant 0 : i32
    %dma_start3A_63 = tpu.memref_slice %arg3[%dma_start3A_61, %dma_start3A_62] : memref<32768x128xf32, #tpu.memory_space<hbm>> -> memref<32768x128xf32, #tpu.memory_space<hbm>>
    tpu.enqueue_indirect_dma source(%dma_start3A_63 : memref<32768x128xf32, #tpu.memory_space<hbm>>) target(%dma_start3A_58 : memref<128x128xf32, #tpu.memory_space<vmem>>) offsets(%dma_start3A_60 : memref<128xi32, #tpu.memory_space<vmem>>) semaphore(%arg11 : memref<!tpu.dma_semaphore, #tpu.memory_space<semaphore_mem>>)
    %dma_start3A_64 = arith.constant 1 : i32
    %dma_start3A_65 = arith.constant 0 : i32
    %dma_start3A_66 = arith.constant 0 : i32
    %dma_start3A_67 = tpu.memref_slice %arg9[%dma_start3A_64, %dma_start3A_65, %dma_start3A_66] : memref<3x128x128xf32, #tpu.memory_space<vmem>> -> memref<1x128x128xf32, #tpu.memory_space<vmem>>
    %dma_start3A_68 = tpu.memref_squeeze %dma_start3A_67 : memref<1x128x128xf32, #tpu.memory_space<vmem>> -> memref<128x128xf32, #tpu.memory_space<vmem>>
    %dma_start3A_69 = arith.constant 128 : i32
    %dma_start3A_70 = tpu.memref_slice %arg7[%dma_start3A_69] : memref<1024xi32, #tpu.memory_space<vmem>> -> memref<128xi32, #tpu.memory_space<vmem>>
    %dma_start3A_71 = arith.constant 0 : i32
    %dma_start3A_72 = arith.constant 0 : i32
    %dma_start3A_73 = tpu.memref_slice %arg4[%dma_start3A_71, %dma_start3A_72] : memref<32768x128xf32, #tpu.memory_space<hbm>> -> memref<32768x128xf32, #tpu.memory_space<hbm>>
    tpu.enqueue_indirect_dma source(%dma_start3A_73 : memref<32768x128xf32, #tpu.memory_space<hbm>>) target(%dma_start3A_68 : memref<128x128xf32, #tpu.memory_space<vmem>>) offsets(%dma_start3A_70 : memref<128xi32, #tpu.memory_space<vmem>>) semaphore(%arg14 : memref<!tpu.dma_semaphore, #tpu.memory_space<semaphore_mem>>)
    %dma_start3A_74 = arith.constant 2 : i32
    %dma_start3A_75 = arith.constant 0 : i32
    %dma_start3A_76 = arith.constant 0 : i32
    %dma_start3A_77 = tpu.memref_slice %arg8[%dma_start3A_74, %dma_start3A_75, %dma_start3A_76] : memref<3x128x128xf32, #tpu.memory_space<vmem>> -> memref<1x128x128xf32, #tpu.memory_space<vmem>>
    %dma_start3A_78 = tpu.memref_squeeze %dma_start3A_77 : memref<1x128x128xf32, #tpu.memory_space<vmem>> -> memref<128x128xf32, #tpu.memory_space<vmem>>
    %dma_start3A_79 = arith.constant 256 : i32
    %dma_start3A_80 = tpu.memref_slice %arg7[%dma_start3A_79] : memref<1024xi32, #tpu.memory_space<vmem>> -> memref<128xi32, #tpu.memory_space<vmem>>
    %dma_start3A_81 = arith.constant 0 : i32
    %dma_start3A_82 = arith.constant 0 : i32
    %dma_start3A_83 = tpu.memref_slice %arg3[%dma_start3A_81, %dma_start3A_82] : memref<32768x128xf32, #tpu.memory_space<hbm>> -> memref<32768x128xf32, #tpu.memory_space<hbm>>
    tpu.enqueue_indirect_dma source(%dma_start3A_83 : memref<32768x128xf32, #tpu.memory_space<hbm>>) target(%dma_start3A_78 : memref<128x128xf32, #tpu.memory_space<vmem>>) offsets(%dma_start3A_80 : memref<128xi32, #tpu.memory_space<vmem>>) semaphore(%arg12 : memref<!tpu.dma_semaphore, #tpu.memory_space<semaphore_mem>>)
    %dma_start3A_84 = arith.constant 2 : i32
    %dma_start3A_85 = arith.constant 0 : i32
    %dma_start3A_86 = arith.constant 0 : i32
    %dma_start3A_87 = tpu.memref_slice %arg9[%dma_start3A_84, %dma_start3A_85, %dma_start3A_86] : memref<3x128x128xf32, #tpu.memory_space<vmem>> -> memref<1x128x128xf32, #tpu.memory_space<vmem>>
    %dma_start3A_88 = tpu.memref_squeeze %dma_start3A_87 : memref<1x128x128xf32, #tpu.memory_space<vmem>> -> memref<128x128xf32, #tpu.memory_space<vmem>>
    %dma_start3A_89 = arith.constant 256 : i32
    %dma_start3A_90 = tpu.memref_slice %arg7[%dma_start3A_89] : memref<1024xi32, #tpu.memory_space<vmem>> -> memref<128xi32, #tpu.memory_space<vmem>>
    %dma_start3A_91 = arith.constant 0 : i32
    %dma_start3A_92 = arith.constant 0 : i32
    %dma_start3A_93 = tpu.memref_slice %arg4[%dma_start3A_91, %dma_start3A_92] : memref<32768x128xf32, #tpu.memory_space<hbm>> -> memref<32768x128xf32, #tpu.memory_space<hbm>>
    tpu.enqueue_indirect_dma source(%dma_start3A_93 : memref<32768x128xf32, #tpu.memory_space<hbm>>) target(%dma_start3A_88 : memref<128x128xf32, #tpu.memory_space<vmem>>) offsets(%dma_start3A_90 : memref<128xi32, #tpu.memory_space<vmem>>) semaphore(%arg15 : memref<!tpu.dma_semaphore, #tpu.memory_space<semaphore_mem>>)
    %add3A_94 = arith.constant 0 : i32
    %add3A_95 = arith.addi %mul3A_34, %add3A_94 : i32
    %dma_wait3A = arith.constant 0 : i32
    %dma_wait3A_96 = arith.constant 0 : i32
    %dma_wait3A_97 = arith.constant 0 : i32
    %dma_wait3A_98 = tpu.memref_slice %arg8[%dma_wait3A, %dma_wait3A_96, %dma_wait3A_97] : memref<3x128x128xf32, #tpu.memory_space<vmem>> -> memref<1x128x128xf32, #tpu.memory_space<vmem>>
    %dma_wait3A_99 = tpu.memref_squeeze %dma_wait3A_98 : memref<1x128x128xf32, #tpu.memory_space<vmem>> -> memref<128x128xf32, #tpu.memory_space<vmem>>
    %dma_wait3A_100 = arith.constant 0 : i32
    %dma_wait3A_101 = tpu.memref_slice %arg7[%dma_wait3A_100] : memref<1024xi32, #tpu.memory_space<vmem>> -> memref<128xi32, #tpu.memory_space<vmem>>
    %dma_wait3A_102 = arith.constant 0 : i32
    %dma_wait3A_103 = arith.constant 0 : i32
    %dma_wait3A_104 = tpu.memref_slice %arg3[%dma_wait3A_102, %dma_wait3A_103] : memref<32768x128xf32, #tpu.memory_space<hbm>> -> memref<32768x128xf32, #tpu.memory_space<hbm>>
    tpu.wait_indirect_dma semaphore(%arg10 : memref<!tpu.dma_semaphore, #tpu.memory_space<semaphore_mem>>) src(%dma_wait3A_104 : memref<32768x128xf32, #tpu.memory_space<hbm>>) dst(%dma_wait3A_99 : memref<128x128xf32, #tpu.memory_space<vmem>>)
    %dma_start3A_105 = arith.constant 0 : i32
    %dma_start3A_106 = arith.constant 0 : i32
    %dma_start3A_107 = arith.constant 0 : i32
    %dma_start3A_108 = tpu.memref_slice %arg8[%dma_start3A_105, %dma_start3A_106, %dma_start3A_107] : memref<3x128x128xf32, #tpu.memory_space<vmem>> -> memref<1x128x128xf32, #tpu.memory_space<vmem>>
    %dma_start3A_109 = tpu.memref_squeeze %dma_start3A_108 : memref<1x128x128xf32, #tpu.memory_space<vmem>> -> memref<128x128xf32, #tpu.memory_space<vmem>>
    %dma_start3A_110 = arith.constant 0 : i32
    %dma_start3A_111 = tpu.memref_slice %arg5[%add3A_95, %dma_start3A_110] : memref<32768x128xf32, #tpu.memory_space<hbm>> -> memref<128x128xf32, #tpu.memory_space<hbm>>
    %dma_start3A_112 = arith.constant 0 : i32
    %dma_start3A_113 = tpu.memref_slice %arg5[%add3A_95, %dma_start3A_112] : memref<32768x128xf32, #tpu.memory_space<hbm>> -> memref<128x128xf32, #tpu.memory_space<hbm>>
    %dma_start3A_114 = arith.constant 0 : i32
    %dma_start3A_115 = arith.constant 0 : i32
    %dma_start3A_116 = tpu.memref_slice %arg8[%dma_start3A_105, %dma_start3A_114, %dma_start3A_115] : memref<3x128x128xf32, #tpu.memory_space<vmem>> -> memref<1x128x128xf32, #tpu.memory_space<vmem>>
    %dma_start3A_117 = tpu.memref_squeeze %dma_start3A_116 : memref<1x128x128xf32, #tpu.memory_space<vmem>> -> memref<128x128xf32, #tpu.memory_space<vmem>>
    tpu.enqueue_dma source(%dma_start3A_117 : memref<128x128xf32, #tpu.memory_space<vmem>>) target(%dma_start3A_113 : memref<128x128xf32, #tpu.memory_space<hbm>>) target_semaphore(%arg16 : memref<!tpu.dma_semaphore, #tpu.memory_space<semaphore_mem>>)
    %dma_wait3A_118 = arith.constant 0 : i32
    %dma_wait3A_119 = arith.constant 0 : i32
    %dma_wait3A_120 = arith.constant 0 : i32
    %dma_wait3A_121 = tpu.memref_slice %arg9[%dma_wait3A_118, %dma_wait3A_119, %dma_wait3A_120] : memref<3x128x128xf32, #tpu.memory_space<vmem>> -> memref<1x128x128xf32, #tpu.memory_space<vmem>>
    %dma_wait3A_122 = tpu.memref_squeeze %dma_wait3A_121 : memref<1x128x128xf32, #tpu.memory_space<vmem>> -> memref<128x128xf32, #tpu.memory_space<vmem>>
    %dma_wait3A_123 = arith.constant 0 : i32
    %dma_wait3A_124 = tpu.memref_slice %arg7[%dma_wait3A_123] : memref<1024xi32, #tpu.memory_space<vmem>> -> memref<128xi32, #tpu.memory_space<vmem>>
    %dma_wait3A_125 = arith.constant 0 : i32
    %dma_wait3A_126 = arith.constant 0 : i32
    %dma_wait3A_127 = tpu.memref_slice %arg4[%dma_wait3A_125, %dma_wait3A_126] : memref<32768x128xf32, #tpu.memory_space<hbm>> -> memref<32768x128xf32, #tpu.memory_space<hbm>>
    tpu.wait_indirect_dma semaphore(%arg13 : memref<!tpu.dma_semaphore, #tpu.memory_space<semaphore_mem>>) src(%dma_wait3A_127 : memref<32768x128xf32, #tpu.memory_space<hbm>>) dst(%dma_wait3A_122 : memref<128x128xf32, #tpu.memory_space<vmem>>)
    %dma_start3A_128 = arith.constant 0 : i32
    %dma_start3A_129 = arith.constant 0 : i32
    %dma_start3A_130 = arith.constant 0 : i32
    %dma_start3A_131 = tpu.memref_slice %arg9[%dma_start3A_128, %dma_start3A_129, %dma_start3A_130] : memref<3x128x128xf32, #tpu.memory_space<vmem>> -> memref<1x128x128xf32, #tpu.memory_space<vmem>>
    %dma_start3A_132 = tpu.memref_squeeze %dma_start3A_131 : memref<1x128x128xf32, #tpu.memory_space<vmem>> -> memref<128x128xf32, #tpu.memory_space<vmem>>
    %dma_start3A_133 = arith.constant 0 : i32
    %dma_start3A_134 = tpu.memref_slice %arg6[%add3A_95, %dma_start3A_133] : memref<32768x128xf32, #tpu.memory_space<hbm>> -> memref<128x128xf32, #tpu.memory_space<hbm>>
    %dma_start3A_135 = arith.constant 0 : i32
    %dma_start3A_136 = tpu.memref_slice %arg6[%add3A_95, %dma_start3A_135] : memref<32768x128xf32, #tpu.memory_space<hbm>> -> memref<128x128xf32, #tpu.memory_space<hbm>>
    %dma_start3A_137 = arith.constant 0 : i32
    %dma_start3A_138 = arith.constant 0 : i32
    %dma_start3A_139 = tpu.memref_slice %arg9[%dma_start3A_128, %dma_start3A_137, %dma_start3A_138] : memref<3x128x128xf32, #tpu.memory_space<vmem>> -> memref<1x128x128xf32, #tpu.memory_space<vmem>>
    %dma_start3A_140 = tpu.memref_squeeze %dma_start3A_139 : memref<1x128x128xf32, #tpu.memory_space<vmem>> -> memref<128x128xf32, #tpu.memory_space<vmem>>
    tpu.enqueue_dma source(%dma_start3A_140 : memref<128x128xf32, #tpu.memory_space<vmem>>) target(%dma_start3A_136 : memref<128x128xf32, #tpu.memory_space<hbm>>) target_semaphore(%arg19 : memref<!tpu.dma_semaphore, #tpu.memory_space<semaphore_mem>>)
    %dma_wait3A_141 = arith.constant 0 : i32
    %dma_wait3A_142 = arith.constant 0 : i32
    %dma_wait3A_143 = arith.constant 0 : i32
    %dma_wait3A_144 = tpu.memref_slice %arg8[%dma_wait3A_141, %dma_wait3A_142, %dma_wait3A_143] : memref<3x128x128xf32, #tpu.memory_space<vmem>> -> memref<1x128x128xf32, #tpu.memory_space<vmem>>
    %dma_wait3A_145 = tpu.memref_squeeze %dma_wait3A_144 : memref<1x128x128xf32, #tpu.memory_space<vmem>> -> memref<128x128xf32, #tpu.memory_space<vmem>>
    %dma_wait3A_146 = arith.constant 0 : i32
    %dma_wait3A_147 = tpu.memref_slice %arg5[%add3A_95, %dma_wait3A_146] : memref<32768x128xf32, #tpu.memory_space<hbm>> -> memref<128x128xf32, #tpu.memory_space<hbm>>
    %dma_wait3A_148 = arith.constant 0 : i32
    %dma_wait3A_149 = tpu.memref_slice %arg5[%add3A_95, %dma_wait3A_148] : memref<32768x128xf32, #tpu.memory_space<hbm>> -> memref<128x128xf32, #tpu.memory_space<hbm>>
    %dma_wait3A_150 = arith.constant 0 : i32
    %dma_wait3A_151 = arith.constant 0 : i32
    %dma_wait3A_152 = tpu.memref_slice %arg8[%dma_wait3A_141, %dma_wait3A_150, %dma_wait3A_151] : memref<3x128x128xf32, #tpu.memory_space<vmem>> -> memref<1x128x128xf32, #tpu.memory_space<vmem>>
    %dma_wait3A_153 = tpu.memref_squeeze %dma_wait3A_152 : memref<1x128x128xf32, #tpu.memory_space<vmem>> -> memref<128x128xf32, #tpu.memory_space<vmem>>
    tpu.wait_dma2 semaphore(%arg16 : memref<!tpu.dma_semaphore, #tpu.memory_space<semaphore_mem>>) src(%dma_wait3A_153 : memref<128x128xf32, #tpu.memory_space<vmem>>) dst(%dma_wait3A_149 : memref<128x128xf32, #tpu.memory_space<hbm>>)
    %dma_wait3A_154 = arith.constant 0 : i32
    %dma_wait3A_155 = arith.constant 0 : i32
    %dma_wait3A_156 = arith.constant 0 : i32
    %dma_wait3A_157 = tpu.memref_slice %arg9[%dma_wait3A_154, %dma_wait3A_155, %dma_wait3A_156] : memref<3x128x128xf32, #tpu.memory_space<vmem>> -> memref<1x128x128xf32, #tpu.memory_space<vmem>>
    %dma_wait3A_158 = tpu.memref_squeeze %dma_wait3A_157 : memref<1x128x128xf32, #tpu.memory_space<vmem>> -> memref<128x128xf32, #tpu.memory_space<vmem>>
    %dma_wait3A_159 = arith.constant 0 : i32
    %dma_wait3A_160 = tpu.memref_slice %arg6[%add3A_95, %dma_wait3A_159] : memref<32768x128xf32, #tpu.memory_space<hbm>> -> memref<128x128xf32, #tpu.memory_space<hbm>>
    %dma_wait3A_161 = arith.constant 0 : i32
    %dma_wait3A_162 = tpu.memref_slice %arg6[%add3A_95, %dma_wait3A_161] : memref<32768x128xf32, #tpu.memory_space<hbm>> -> memref<128x128xf32, #tpu.memory_space<hbm>>
    %dma_wait3A_163 = arith.constant 0 : i32
    %dma_wait3A_164 = arith.constant 0 : i32
    %dma_wait3A_165 = tpu.memref_slice %arg9[%dma_wait3A_154, %dma_wait3A_163, %dma_wait3A_164] : memref<3x128x128xf32, #tpu.memory_space<vmem>> -> memref<1x128x128xf32, #tpu.memory_space<vmem>>
    %dma_wait3A_166 = tpu.memref_squeeze %dma_wait3A_165 : memref<1x128x128xf32, #tpu.memory_space<vmem>> -> memref<128x128xf32, #tpu.memory_space<vmem>>
    tpu.wait_dma2 semaphore(%arg19 : memref<!tpu.dma_semaphore, #tpu.memory_space<semaphore_mem>>) src(%dma_wait3A_166 : memref<128x128xf32, #tpu.memory_space<vmem>>) dst(%dma_wait3A_162 : memref<128x128xf32, #tpu.memory_space<hbm>>)
    %dma_start3A_167 = arith.constant 0 : i32
    %dma_start3A_168 = arith.constant 0 : i32
    %dma_start3A_169 = arith.constant 0 : i32
    %dma_start3A_170 = tpu.memref_slice %arg8[%dma_start3A_167, %dma_start3A_168, %dma_start3A_169] : memref<3x128x128xf32, #tpu.memory_space<vmem>> -> memref<1x128x128xf32, #tpu.memory_space<vmem>>
    %dma_start3A_171 = tpu.memref_squeeze %dma_start3A_170 : memref<1x128x128xf32, #tpu.memory_space<vmem>> -> memref<128x128xf32, #tpu.memory_space<vmem>>
    %dma_start3A_172 = arith.constant 384 : i32
    %dma_start3A_173 = tpu.memref_slice %arg7[%dma_start3A_172] : memref<1024xi32, #tpu.memory_space<vmem>> -> memref<128xi32, #tpu.memory_space<vmem>>
    %dma_start3A_174 = arith.constant 0 : i32
    %dma_start3A_175 = arith.constant 0 : i32
    %dma_start3A_176 = tpu.memref_slice %arg3[%dma_start3A_174, %dma_start3A_175] : memref<32768x128xf32, #tpu.memory_space<hbm>> -> memref<32768x128xf32, #tpu.memory_space<hbm>>
    tpu.enqueue_indirect_dma source(%dma_start3A_176 : memref<32768x128xf32, #tpu.memory_space<hbm>>) target(%dma_start3A_171 : memref<128x128xf32, #tpu.memory_space<vmem>>) offsets(%dma_start3A_173 : memref<128xi32, #tpu.memory_space<vmem>>) semaphore(%arg10 : memref<!tpu.dma_semaphore, #tpu.memory_space<semaphore_mem>>)
    %dma_start3A_177 = arith.constant 0 : i32
    %dma_start3A_178 = arith.constant 0 : i32
    %dma_start3A_179 = arith.constant 0 : i32
    %dma_start3A_180 = tpu.memref_slice %arg9[%dma_start3A_177, %dma_start3A_178, %dma_start3A_179] : memref<3x128x128xf32, #tpu.memory_space<vmem>> -> memref<1x128x128xf32, #tpu.memory_space<vmem>>
    %dma_start3A_181 = tpu.memref_squeeze %dma_start3A_180 : memref<1x128x128xf32, #tpu.memory_space<vmem>> -> memref<128x128xf32, #tpu.memory_space<vmem>>
    %dma_start3A_182 = arith.constant 384 : i32
    %dma_start3A_183 = tpu.memref_slice %arg7[%dma_start3A_182] : memref<1024xi32, #tpu.memory_space<vmem>> -> memref<128xi32, #tpu.memory_space<vmem>>
    %dma_start3A_184 = arith.constant 0 : i32
    %dma_start3A_185 = arith.constant 0 : i32
    %dma_start3A_186 = tpu.memref_slice %arg4[%dma_start3A_184, %dma_start3A_185] : memref<32768x128xf32, #tpu.memory_space<hbm>> -> memref<32768x128xf32, #tpu.memory_space<hbm>>
    tpu.enqueue_indirect_dma source(%dma_start3A_186 : memref<32768x128xf32, #tpu.memory_space<hbm>>) target(%dma_start3A_181 : memref<128x128xf32, #tpu.memory_space<vmem>>) offsets(%dma_start3A_183 : memref<128xi32, #tpu.memory_space<vmem>>) semaphore(%arg13 : memref<!tpu.dma_semaphore, #tpu.memory_space<semaphore_mem>>)
    %add3A_187 = arith.constant 128 : i32
    %add3A_188 = arith.addi %mul3A_34, %add3A_187 : i32
    %dma_wait3A_189 = arith.constant 1 : i32
    %dma_wait3A_190 = arith.constant 0 : i32
    %dma_wait3A_191 = arith.constant 0 : i32
    %dma_wait3A_192 = tpu.memref_slice %arg8[%dma_wait3A_189, %dma_wait3A_190, %dma_wait3A_191] : memref<3x128x128xf32, #tpu.memory_space<vmem>> -> memref<1x128x128xf32, #tpu.memory_space<vmem>>
    %dma_wait3A_193 = tpu.memref_squeeze %dma_wait3A_192 : memref<1x128x128xf32, #tpu.memory_space<vmem>> -> memref<128x128xf32, #tpu.memory_space<vmem>>
    %dma_wait3A_194 = arith.constant 128 : i32
    %dma_wait3A_195 = tpu.memref_slice %arg7[%dma_wait3A_194] : memref<1024xi32, #tpu.memory_space<vmem>> -> memref<128xi32, #tpu.memory_space<vmem>>
    %dma_wait3A_196 = arith.constant 0 : i32
    %dma_wait3A_197 = arith.constant 0 : i32
    %dma_wait3A_198 = tpu.memref_slice %arg3[%dma_wait3A_196, %dma_wait3A_197] : memref<32768x128xf32, #tpu.memory_space<hbm>> -> memref<32768x128xf32, #tpu.memory_space<hbm>>
    tpu.wait_indirect_dma semaphore(%arg11 : memref<!tpu.dma_semaphore, #tpu.memory_space<semaphore_mem>>) src(%dma_wait3A_198 : memref<32768x128xf32, #tpu.memory_space<hbm>>) dst(%dma_wait3A_193 : memref<128x128xf32, #tpu.memory_space<vmem>>)
    %dma_start3A_199 = arith.constant 1 : i32
    %dma_start3A_200 = arith.constant 0 : i32
    %dma_start3A_201 = arith.constant 0 : i32
    %dma_start3A_202 = tpu.memref_slice %arg8[%dma_start3A_199, %dma_start3A_200, %dma_start3A_201] : memref<3x128x128xf32, #tpu.memory_space<vmem>> -> memref<1x128x128xf32, #tpu.memory_space<vmem>>
    %dma_start3A_203 = tpu.memref_squeeze %dma_start3A_202 : memref<1x128x128xf32, #tpu.memory_space<vmem>> -> memref<128x128xf32, #tpu.memory_space<vmem>>
    %dma_start3A_204 = arith.constant 0 : i32
    %dma_start3A_205 = tpu.memref_slice %arg5[%add3A_188, %dma_start3A_204] : memref<32768x128xf32, #tpu.memory_space<hbm>> -> memref<128x128xf32, #tpu.memory_space<hbm>>
    %dma_start3A_206 = arith.constant 0 : i32
    %dma_start3A_207 = tpu.memref_slice %arg5[%add3A_188, %dma_start3A_206] : memref<32768x128xf32, #tpu.memory_space<hbm>> -> memref<128x128xf32, #tpu.memory_space<hbm>>
    %dma_start3A_208 = arith.constant 0 : i32
    %dma_start3A_209 = arith.constant 0 : i32
    %dma_start3A_210 = tpu.memref_slice %arg8[%dma_start3A_199, %dma_start3A_208, %dma_start3A_209] : memref<3x128x128xf32, #tpu.memory_space<vmem>> -> memref<1x128x128xf32, #tpu.memory_space<vmem>>
    %dma_start3A_211 = tpu.memref_squeeze %dma_start3A_210 : memref<1x128x128xf32, #tpu.memory_space<vmem>> -> memref<128x128xf32, #tpu.memory_space<vmem>>
    tpu.enqueue_dma source(%dma_start3A_211 : memref<128x128xf32, #tpu.memory_space<vmem>>) target(%dma_start3A_207 : memref<128x128xf32, #tpu.memory_space<hbm>>) target_semaphore(%arg17 : memref<!tpu.dma_semaphore, #tpu.memory_space<semaphore_mem>>)
    %dma_wait3A_212 = arith.constant 1 : i32
    %dma_wait3A_213 = arith.constant 0 : i32
    %dma_wait3A_214 = arith.constant 0 : i32
    %dma_wait3A_215 = tpu.memref_slice %arg9[%dma_wait3A_212, %dma_wait3A_213, %dma_wait3A_214] : memref<3x128x128xf32, #tpu.memory_space<vmem>> -> memref<1x128x128xf32, #tpu.memory_space<vmem>>
    %dma_wait3A_216 = tpu.memref_squeeze %dma_wait3A_215 : memref<1x128x128xf32, #tpu.memory_space<vmem>> -> memref<128x128xf32, #tpu.memory_space<vmem>>
    %dma_wait3A_217 = arith.constant 128 : i32
    %dma_wait3A_218 = tpu.memref_slice %arg7[%dma_wait3A_217] : memref<1024xi32, #tpu.memory_space<vmem>> -> memref<128xi32, #tpu.memory_space<vmem>>
    %dma_wait3A_219 = arith.constant 0 : i32
    %dma_wait3A_220 = arith.constant 0 : i32
    %dma_wait3A_221 = tpu.memref_slice %arg4[%dma_wait3A_219, %dma_wait3A_220] : memref<32768x128xf32, #tpu.memory_space<hbm>> -> memref<32768x128xf32, #tpu.memory_space<hbm>>
    tpu.wait_indirect_dma semaphore(%arg14 : memref<!tpu.dma_semaphore, #tpu.memory_space<semaphore_mem>>) src(%dma_wait3A_221 : memref<32768x128xf32, #tpu.memory_space<hbm>>) dst(%dma_wait3A_216 : memref<128x128xf32, #tpu.memory_space<vmem>>)
    %dma_start3A_222 = arith.constant 1 : i32
    %dma_start3A_223 = arith.constant 0 : i32
    %dma_start3A_224 = arith.constant 0 : i32
    %dma_start3A_225 = tpu.memref_slice %arg9[%dma_start3A_222, %dma_start3A_223, %dma_start3A_224] : memref<3x128x128xf32, #tpu.memory_space<vmem>> -> memref<1x128x128xf32, #tpu.memory_space<vmem>>
    %dma_start3A_226 = tpu.memref_squeeze %dma_start3A_225 : memref<1x128x128xf32, #tpu.memory_space<vmem>> -> memref<128x128xf32, #tpu.memory_space<vmem>>
    %dma_start3A_227 = arith.constant 0 : i32
    %dma_start3A_228 = tpu.memref_slice %arg6[%add3A_188, %dma_start3A_227] : memref<32768x128xf32, #tpu.memory_space<hbm>> -> memref<128x128xf32, #tpu.memory_space<hbm>>
    %dma_start3A_229 = arith.constant 0 : i32
    %dma_start3A_230 = tpu.memref_slice %arg6[%add3A_188, %dma_start3A_229] : memref<32768x128xf32, #tpu.memory_space<hbm>> -> memref<128x128xf32, #tpu.memory_space<hbm>>
    %dma_start3A_231 = arith.constant 0 : i32
    %dma_start3A_232 = arith.constant 0 : i32
    %dma_start3A_233 = tpu.memref_slice %arg9[%dma_start3A_222, %dma_start3A_231, %dma_start3A_232] : memref<3x128x128xf32, #tpu.memory_space<vmem>> -> memref<1x128x128xf32, #tpu.memory_space<vmem>>
    %dma_start3A_234 = tpu.memref_squeeze %dma_start3A_233 : memref<1x128x128xf32, #tpu.memory_space<vmem>> -> memref<128x128xf32, #tpu.memory_space<vmem>>
    tpu.enqueue_dma source(%dma_start3A_234 : memref<128x128xf32, #tpu.memory_space<vmem>>) target(%dma_start3A_230 : memref<128x128xf32, #tpu.memory_space<hbm>>) target_semaphore(%arg20 : memref<!tpu.dma_semaphore, #tpu.memory_space<semaphore_mem>>)
    %dma_wait3A_235 = arith.constant 1 : i32
    %dma_wait3A_236 = arith.constant 0 : i32
    %dma_wait3A_237 = arith.constant 0 : i32
    %dma_wait3A_238 = tpu.memref_slice %arg8[%dma_wait3A_235, %dma_wait3A_236, %dma_wait3A_237] : memref<3x128x128xf32, #tpu.memory_space<vmem>> -> memref<1x128x128xf32, #tpu.memory_space<vmem>>
    %dma_wait3A_239 = tpu.memref_squeeze %dma_wait3A_238 : memref<1x128x128xf32, #tpu.memory_space<vmem>> -> memref<128x128xf32, #tpu.memory_space<vmem>>
    %dma_wait3A_240 = arith.constant 0 : i32
    %dma_wait3A_241 = tpu.memref_slice %arg5[%add3A_188, %dma_wait3A_240] : memref<32768x128xf32, #tpu.memory_space<hbm>> -> memref<128x128xf32, #tpu.memory_space<hbm>>
    %dma_wait3A_242 = arith.constant 0 : i32
    %dma_wait3A_243 = tpu.memref_slice %arg5[%add3A_188, %dma_wait3A_242] : memref<32768x128xf32, #tpu.memory_space<hbm>> -> memref<128x128xf32, #tpu.memory_space<hbm>>
    %dma_wait3A_244 = arith.constant 0 : i32
    %dma_wait3A_245 = arith.constant 0 : i32
    %dma_wait3A_246 = tpu.memref_slice %arg8[%dma_wait3A_235, %dma_wait3A_244, %dma_wait3A_245] : memref<3x128x128xf32, #tpu.memory_space<vmem>> -> memref<1x128x128xf32, #tpu.memory_space<vmem>>
    %dma_wait3A_247 = tpu.memref_squeeze %dma_wait3A_246 : memref<1x128x128xf32, #tpu.memory_space<vmem>> -> memref<128x128xf32, #tpu.memory_space<vmem>>
    tpu.wait_dma2 semaphore(%arg17 : memref<!tpu.dma_semaphore, #tpu.memory_space<semaphore_mem>>) src(%dma_wait3A_247 : memref<128x128xf32, #tpu.memory_space<vmem>>) dst(%dma_wait3A_243 : memref<128x128xf32, #tpu.memory_space<hbm>>)
    %dma_wait3A_248 = arith.constant 1 : i32
    %dma_wait3A_249 = arith.constant 0 : i32
    %dma_wait3A_250 = arith.constant 0 : i32
    %dma_wait3A_251 = tpu.memref_slice %arg9[%dma_wait3A_248, %dma_wait3A_249, %dma_wait3A_250] : memref<3x128x128xf32, #tpu.memory_space<vmem>> -> memref<1x128x128xf32, #tpu.memory_space<vmem>>
    %dma_wait3A_252 = tpu.memref_squeeze %dma_wait3A_251 : memref<1x128x128xf32, #tpu.memory_space<vmem>> -> memref<128x128xf32, #tpu.memory_space<vmem>>
    %dma_wait3A_253 = arith.constant 0 : i32
    %dma_wait3A_254 = tpu.memref_slice %arg6[%add3A_188, %dma_wait3A_253] : memref<32768x128xf32, #tpu.memory_space<hbm>> -> memref<128x128xf32, #tpu.memory_space<hbm>>
    %dma_wait3A_255 = arith.constant 0 : i32
    %dma_wait3A_256 = tpu.memref_slice %arg6[%add3A_188, %dma_wait3A_255] : memref<32768x128xf32, #tpu.memory_space<hbm>> -> memref<128x128xf32, #tpu.memory_space<hbm>>
    %dma_wait3A_257 = arith.constant 0 : i32
    %dma_wait3A_258 = arith.constant 0 : i32
    %dma_wait3A_259 = tpu.memref_slice %arg9[%dma_wait3A_248, %dma_wait3A_257, %dma_wait3A_258] : memref<3x128x128xf32, #tpu.memory_space<vmem>> -> memref<1x128x128xf32, #tpu.memory_space<vmem>>
    %dma_wait3A_260 = tpu.memref_squeeze %dma_wait3A_259 : memref<1x128x128xf32, #tpu.memory_space<vmem>> -> memref<128x128xf32, #tpu.memory_space<vmem>>
    tpu.wait_dma2 semaphore(%arg20 : memref<!tpu.dma_semaphore, #tpu.memory_space<semaphore_mem>>) src(%dma_wait3A_260 : memref<128x128xf32, #tpu.memory_space<vmem>>) dst(%dma_wait3A_256 : memref<128x128xf32, #tpu.memory_space<hbm>>)
    %dma_start3A_261 = arith.constant 1 : i32
    %dma_start3A_262 = arith.constant 0 : i32
    %dma_start3A_263 = arith.constant 0 : i32
    %dma_start3A_264 = tpu.memref_slice %arg8[%dma_start3A_261, %dma_start3A_262, %dma_start3A_263] : memref<3x128x128xf32, #tpu.memory_space<vmem>> -> memref<1x128x128xf32, #tpu.memory_space<vmem>>
    %dma_start3A_265 = tpu.memref_squeeze %dma_start3A_264 : memref<1x128x128xf32, #tpu.memory_space<vmem>> -> memref<128x128xf32, #tpu.memory_space<vmem>>
    %dma_start3A_266 = arith.constant 512 : i32
    %dma_start3A_267 = tpu.memref_slice %arg7[%dma_start3A_266] : memref<1024xi32, #tpu.memory_space<vmem>> -> memref<128xi32, #tpu.memory_space<vmem>>
    %dma_start3A_268 = arith.constant 0 : i32
    %dma_start3A_269 = arith.constant 0 : i32
    %dma_start3A_270 = tpu.memref_slice %arg3[%dma_start3A_268, %dma_start3A_269] : memref<32768x128xf32, #tpu.memory_space<hbm>> -> memref<32768x128xf32, #tpu.memory_space<hbm>>
    tpu.enqueue_indirect_dma source(%dma_start3A_270 : memref<32768x128xf32, #tpu.memory_space<hbm>>) target(%dma_start3A_265 : memref<128x128xf32, #tpu.memory_space<vmem>>) offsets(%dma_start3A_267 : memref<128xi32, #tpu.memory_space<vmem>>) semaphore(%arg11 : memref<!tpu.dma_semaphore, #tpu.memory_space<semaphore_mem>>)
    %dma_start3A_271 = arith.constant 1 : i32
    %dma_start3A_272 = arith.constant 0 : i32
    %dma_start3A_273 = arith.constant 0 : i32
    %dma_start3A_274 = tpu.memref_slice %arg9[%dma_start3A_271, %dma_start3A_272, %dma_start3A_273] : memref<3x128x128xf32, #tpu.memory_space<vmem>> -> memref<1x128x128xf32, #tpu.memory_space<vmem>>
    %dma_start3A_275 = tpu.memref_squeeze %dma_start3A_274 : memref<1x128x128xf32, #tpu.memory_space<vmem>> -> memref<128x128xf32, #tpu.memory_space<vmem>>
    %dma_start3A_276 = arith.constant 512 : i32
    %dma_start3A_277 = tpu.memref_slice %arg7[%dma_start3A_276] : memref<1024xi32, #tpu.memory_space<vmem>> -> memref<128xi32, #tpu.memory_space<vmem>>
    %dma_start3A_278 = arith.constant 0 : i32
    %dma_start3A_279 = arith.constant 0 : i32
    %dma_start3A_280 = tpu.memref_slice %arg4[%dma_start3A_278, %dma_start3A_279] : memref<32768x128xf32, #tpu.memory_space<hbm>> -> memref<32768x128xf32, #tpu.memory_space<hbm>>
    tpu.enqueue_indirect_dma source(%dma_start3A_280 : memref<32768x128xf32, #tpu.memory_space<hbm>>) target(%dma_start3A_275 : memref<128x128xf32, #tpu.memory_space<vmem>>) offsets(%dma_start3A_277 : memref<128xi32, #tpu.memory_space<vmem>>) semaphore(%arg14 : memref<!tpu.dma_semaphore, #tpu.memory_space<semaphore_mem>>)
    %add3A_281 = arith.constant 256 : i32
    %add3A_282 = arith.addi %mul3A_34, %add3A_281 : i32
    %dma_wait3A_283 = arith.constant 2 : i32
    %dma_wait3A_284 = arith.constant 0 : i32
    %dma_wait3A_285 = arith.constant 0 : i32
    %dma_wait3A_286 = tpu.memref_slice %arg8[%dma_wait3A_283, %dma_wait3A_284, %dma_wait3A_285] : memref<3x128x128xf32, #tpu.memory_space<vmem>> -> memref<1x128x128xf32, #tpu.memory_space<vmem>>
    %dma_wait3A_287 = tpu.memref_squeeze %dma_wait3A_286 : memref<1x128x128xf32, #tpu.memory_space<vmem>> -> memref<128x128xf32, #tpu.memory_space<vmem>>
    %dma_wait3A_288 = arith.constant 256 : i32
    %dma_wait3A_289 = tpu.memref_slice %arg7[%dma_wait3A_288] : memref<1024xi32, #tpu.memory_space<vmem>> -> memref<128xi32, #tpu.memory_space<vmem>>
    %dma_wait3A_290 = arith.constant 0 : i32
    %dma_wait3A_291 = arith.constant 0 : i32
    %dma_wait3A_292 = tpu.memref_slice %arg3[%dma_wait3A_290, %dma_wait3A_291] : memref<32768x128xf32, #tpu.memory_space<hbm>> -> memref<32768x128xf32, #tpu.memory_space<hbm>>
    tpu.wait_indirect_dma semaphore(%arg12 : memref<!tpu.dma_semaphore, #tpu.memory_space<semaphore_mem>>) src(%dma_wait3A_292 : memref<32768x128xf32, #tpu.memory_space<hbm>>) dst(%dma_wait3A_287 : memref<128x128xf32, #tpu.memory_space<vmem>>)
    %dma_start3A_293 = arith.constant 2 : i32
    %dma_start3A_294 = arith.constant 0 : i32
    %dma_start3A_295 = arith.constant 0 : i32
    %dma_start3A_296 = tpu.memref_slice %arg8[%dma_start3A_293, %dma_start3A_294, %dma_start3A_295] : memref<3x128x128xf32, #tpu.memory_space<vmem>> -> memref<1x128x128xf32, #tpu.memory_space<vmem>>
    %dma_start3A_297 = tpu.memref_squeeze %dma_start3A_296 : memref<1x128x128xf32, #tpu.memory_space<vmem>> -> memref<128x128xf32, #tpu.memory_space<vmem>>
    %dma_start3A_298 = arith.constant 0 : i32
    %dma_start3A_299 = tpu.memref_slice %arg5[%add3A_282, %dma_start3A_298] : memref<32768x128xf32, #tpu.memory_space<hbm>> -> memref<128x128xf32, #tpu.memory_space<hbm>>
    %dma_start3A_300 = arith.constant 0 : i32
    %dma_start3A_301 = tpu.memref_slice %arg5[%add3A_282, %dma_start3A_300] : memref<32768x128xf32, #tpu.memory_space<hbm>> -> memref<128x128xf32, #tpu.memory_space<hbm>>
    %dma_start3A_302 = arith.constant 0 : i32
    %dma_start3A_303 = arith.constant 0 : i32
    %dma_start3A_304 = tpu.memref_slice %arg8[%dma_start3A_293, %dma_start3A_302, %dma_start3A_303] : memref<3x128x128xf32, #tpu.memory_space<vmem>> -> memref<1x128x128xf32, #tpu.memory_space<vmem>>
    %dma_start3A_305 = tpu.memref_squeeze %dma_start3A_304 : memref<1x128x128xf32, #tpu.memory_space<vmem>> -> memref<128x128xf32, #tpu.memory_space<vmem>>
    tpu.enqueue_dma source(%dma_start3A_305 : memref<128x128xf32, #tpu.memory_space<vmem>>) target(%dma_start3A_301 : memref<128x128xf32, #tpu.memory_space<hbm>>) target_semaphore(%arg18 : memref<!tpu.dma_semaphore, #tpu.memory_space<semaphore_mem>>)
    %dma_wait3A_306 = arith.constant 2 : i32
    %dma_wait3A_307 = arith.constant 0 : i32
    %dma_wait3A_308 = arith.constant 0 : i32
    %dma_wait3A_309 = tpu.memref_slice %arg9[%dma_wait3A_306, %dma_wait3A_307, %dma_wait3A_308] : memref<3x128x128xf32, #tpu.memory_space<vmem>> -> memref<1x128x128xf32, #tpu.memory_space<vmem>>
    %dma_wait3A_310 = tpu.memref_squeeze %dma_wait3A_309 : memref<1x128x128xf32, #tpu.memory_space<vmem>> -> memref<128x128xf32, #tpu.memory_space<vmem>>
    %dma_wait3A_311 = arith.constant 256 : i32
    %dma_wait3A_312 = tpu.memref_slice %arg7[%dma_wait3A_311] : memref<1024xi32, #tpu.memory_space<vmem>> -> memref<128xi32, #tpu.memory_space<vmem>>
    %dma_wait3A_313 = arith.constant 0 : i32
    %dma_wait3A_314 = arith.constant 0 : i32
    %dma_wait3A_315 = tpu.memref_slice %arg4[%dma_wait3A_313, %dma_wait3A_314] : memref<32768x128xf32, #tpu.memory_space<hbm>> -> memref<32768x128xf32, #tpu.memory_space<hbm>>
    tpu.wait_indirect_dma semaphore(%arg15 : memref<!tpu.dma_semaphore, #tpu.memory_space<semaphore_mem>>) src(%dma_wait3A_315 : memref<32768x128xf32, #tpu.memory_space<hbm>>) dst(%dma_wait3A_310 : memref<128x128xf32, #tpu.memory_space<vmem>>)
    %dma_start3A_316 = arith.constant 2 : i32
    %dma_start3A_317 = arith.constant 0 : i32
    %dma_start3A_318 = arith.constant 0 : i32
    %dma_start3A_319 = tpu.memref_slice %arg9[%dma_start3A_316, %dma_start3A_317, %dma_start3A_318] : memref<3x128x128xf32, #tpu.memory_space<vmem>> -> memref<1x128x128xf32, #tpu.memory_space<vmem>>
    %dma_start3A_320 = tpu.memref_squeeze %dma_start3A_319 : memref<1x128x128xf32, #tpu.memory_space<vmem>> -> memref<128x128xf32, #tpu.memory_space<vmem>>
    %dma_start3A_321 = arith.constant 0 : i32
    %dma_start3A_322 = tpu.memref_slice %arg6[%add3A_282, %dma_start3A_321] : memref<32768x128xf32, #tpu.memory_space<hbm>> -> memref<128x128xf32, #tpu.memory_space<hbm>>
    %dma_start3A_323 = arith.constant 0 : i32
    %dma_start3A_324 = tpu.memref_slice %arg6[%add3A_282, %dma_start3A_323] : memref<32768x128xf32, #tpu.memory_space<hbm>> -> memref<128x128xf32, #tpu.memory_space<hbm>>
    %dma_start3A_325 = arith.constant 0 : i32
    %dma_start3A_326 = arith.constant 0 : i32
    %dma_start3A_327 = tpu.memref_slice %arg9[%dma_start3A_316, %dma_start3A_325, %dma_start3A_326] : memref<3x128x128xf32, #tpu.memory_space<vmem>> -> memref<1x128x128xf32, #tpu.memory_space<vmem>>
    %dma_start3A_328 = tpu.memref_squeeze %dma_start3A_327 : memref<1x128x128xf32, #tpu.memory_space<vmem>> -> memref<128x128xf32, #tpu.memory_space<vmem>>
    tpu.enqueue_dma source(%dma_start3A_328 : memref<128x128xf32, #tpu.memory_space<vmem>>) target(%dma_start3A_324 : memref<128x128xf32, #tpu.memory_space<hbm>>) target_semaphore(%arg21 : memref<!tpu.dma_semaphore, #tpu.memory_space<semaphore_mem>>)
    %dma_wait3A_329 = arith.constant 2 : i32
    %dma_wait3A_330 = arith.constant 0 : i32
    %dma_wait3A_331 = arith.constant 0 : i32
    %dma_wait3A_332 = tpu.memref_slice %arg8[%dma_wait3A_329, %dma_wait3A_330, %dma_wait3A_331] : memref<3x128x128xf32, #tpu.memory_space<vmem>> -> memref<1x128x128xf32, #tpu.memory_space<vmem>>
    %dma_wait3A_333 = tpu.memref_squeeze %dma_wait3A_332 : memref<1x128x128xf32, #tpu.memory_space<vmem>> -> memref<128x128xf32, #tpu.memory_space<vmem>>
    %dma_wait3A_334 = arith.constant 0 : i32
    %dma_wait3A_335 = tpu.memref_slice %arg5[%add3A_282, %dma_wait3A_334] : memref<32768x128xf32, #tpu.memory_space<hbm>> -> memref<128x128xf32, #tpu.memory_space<hbm>>
    %dma_wait3A_336 = arith.constant 0 : i32
    %dma_wait3A_337 = tpu.memref_slice %arg5[%add3A_282, %dma_wait3A_336] : memref<32768x128xf32, #tpu.memory_space<hbm>> -> memref<128x128xf32, #tpu.memory_space<hbm>>
    %dma_wait3A_338 = arith.constant 0 : i32
    %dma_wait3A_339 = arith.constant 0 : i32
    %dma_wait3A_340 = tpu.memref_slice %arg8[%dma_wait3A_329, %dma_wait3A_338, %dma_wait3A_339] : memref<3x128x128xf32, #tpu.memory_space<vmem>> -> memref<1x128x128xf32, #tpu.memory_space<vmem>>
    %dma_wait3A_341 = tpu.memref_squeeze %dma_wait3A_340 : memref<1x128x128xf32, #tpu.memory_space<vmem>> -> memref<128x128xf32, #tpu.memory_space<vmem>>
    tpu.wait_dma2 semaphore(%arg18 : memref<!tpu.dma_semaphore, #tpu.memory_space<semaphore_mem>>) src(%dma_wait3A_341 : memref<128x128xf32, #tpu.memory_space<vmem>>) dst(%dma_wait3A_337 : memref<128x128xf32, #tpu.memory_space<hbm>>)
    %dma_wait3A_342 = arith.constant 2 : i32
    %dma_wait3A_343 = arith.constant 0 : i32
    %dma_wait3A_344 = arith.constant 0 : i32
    %dma_wait3A_345 = tpu.memref_slice %arg9[%dma_wait3A_342, %dma_wait3A_343, %dma_wait3A_344] : memref<3x128x128xf32, #tpu.memory_space<vmem>> -> memref<1x128x128xf32, #tpu.memory_space<vmem>>
    %dma_wait3A_346 = tpu.memref_squeeze %dma_wait3A_345 : memref<1x128x128xf32, #tpu.memory_space<vmem>> -> memref<128x128xf32, #tpu.memory_space<vmem>>
    %dma_wait3A_347 = arith.constant 0 : i32
    %dma_wait3A_348 = tpu.memref_slice %arg6[%add3A_282, %dma_wait3A_347] : memref<32768x128xf32, #tpu.memory_space<hbm>> -> memref<128x128xf32, #tpu.memory_space<hbm>>
    %dma_wait3A_349 = arith.constant 0 : i32
    %dma_wait3A_350 = tpu.memref_slice %arg6[%add3A_282, %dma_wait3A_349] : memref<32768x128xf32, #tpu.memory_space<hbm>> -> memref<128x128xf32, #tpu.memory_space<hbm>>
    %dma_wait3A_351 = arith.constant 0 : i32
    %dma_wait3A_352 = arith.constant 0 : i32
    %dma_wait3A_353 = tpu.memref_slice %arg9[%dma_wait3A_342, %dma_wait3A_351, %dma_wait3A_352] : memref<3x128x128xf32, #tpu.memory_space<vmem>> -> memref<1x128x128xf32, #tpu.memory_space<vmem>>
    %dma_wait3A_354 = tpu.memref_squeeze %dma_wait3A_353 : memref<1x128x128xf32, #tpu.memory_space<vmem>> -> memref<128x128xf32, #tpu.memory_space<vmem>>
    tpu.wait_dma2 semaphore(%arg21 : memref<!tpu.dma_semaphore, #tpu.memory_space<semaphore_mem>>) src(%dma_wait3A_354 : memref<128x128xf32, #tpu.memory_space<vmem>>) dst(%dma_wait3A_350 : memref<128x128xf32, #tpu.memory_space<hbm>>)
    %dma_start3A_355 = arith.constant 2 : i32
    %dma_start3A_356 = arith.constant 0 : i32
    %dma_start3A_357 = arith.constant 0 : i32
    %dma_start3A_358 = tpu.memref_slice %arg8[%dma_start3A_355, %dma_start3A_356, %dma_start3A_357] : memref<3x128x128xf32, #tpu.memory_space<vmem>> -> memref<1x128x128xf32, #tpu.memory_space<vmem>>
    %dma_start3A_359 = tpu.memref_squeeze %dma_start3A_358 : memref<1x128x128xf32, #tpu.memory_space<vmem>> -> memref<128x128xf32, #tpu.memory_space<vmem>>
    %dma_start3A_360 = arith.constant 640 : i32
    %dma_start3A_361 = tpu.memref_slice %arg7[%dma_start3A_360] : memref<1024xi32, #tpu.memory_space<vmem>> -> memref<128xi32, #tpu.memory_space<vmem>>
    %dma_start3A_362 = arith.constant 0 : i32
    %dma_start3A_363 = arith.constant 0 : i32
    %dma_start3A_364 = tpu.memref_slice %arg3[%dma_start3A_362, %dma_start3A_363] : memref<32768x128xf32, #tpu.memory_space<hbm>> -> memref<32768x128xf32, #tpu.memory_space<hbm>>
    tpu.enqueue_indirect_dma source(%dma_start3A_364 : memref<32768x128xf32, #tpu.memory_space<hbm>>) target(%dma_start3A_359 : memref<128x128xf32, #tpu.memory_space<vmem>>) offsets(%dma_start3A_361 : memref<128xi32, #tpu.memory_space<vmem>>) semaphore(%arg12 : memref<!tpu.dma_semaphore, #tpu.memory_space<semaphore_mem>>)
    %dma_start3A_365 = arith.constant 2 : i32
    %dma_start3A_366 = arith.constant 0 : i32
    %dma_start3A_367 = arith.constant 0 : i32
    %dma_start3A_368 = tpu.memref_slice %arg9[%dma_start3A_365, %dma_start3A_366, %dma_start3A_367] : memref<3x128x128xf32, #tpu.memory_space<vmem>> -> memref<1x128x128xf32, #tpu.memory_space<vmem>>
    %dma_start3A_369 = tpu.memref_squeeze %dma_start3A_368 : memref<1x128x128xf32, #tpu.memory_space<vmem>> -> memref<128x128xf32, #tpu.memory_space<vmem>>
    %dma_start3A_370 = arith.constant 640 : i32
    %dma_start3A_371 = tpu.memref_slice %arg7[%dma_start3A_370] : memref<1024xi32, #tpu.memory_space<vmem>> -> memref<128xi32, #tpu.memory_space<vmem>>
    %dma_start3A_372 = arith.constant 0 : i32
    %dma_start3A_373 = arith.constant 0 : i32
    %dma_start3A_374 = tpu.memref_slice %arg4[%dma_start3A_372, %dma_start3A_373] : memref<32768x128xf32, #tpu.memory_space<hbm>> -> memref<32768x128xf32, #tpu.memory_space<hbm>>
    tpu.enqueue_indirect_dma source(%dma_start3A_374 : memref<32768x128xf32, #tpu.memory_space<hbm>>) target(%dma_start3A_369 : memref<128x128xf32, #tpu.memory_space<vmem>>) offsets(%dma_start3A_371 : memref<128xi32, #tpu.memory_space<vmem>>) semaphore(%arg15 : memref<!tpu.dma_semaphore, #tpu.memory_space<semaphore_mem>>)
    %add3A_375 = arith.constant 384 : i32
    %add3A_376 = arith.addi %mul3A_34, %add3A_375 : i32
    %dma_wait3A_377 = arith.constant 0 : i32
    %dma_wait3A_378 = arith.constant 0 : i32
    %dma_wait3A_379 = arith.constant 0 : i32
    %dma_wait3A_380 = tpu.memref_slice %arg8[%dma_wait3A_377, %dma_wait3A_378, %dma_wait3A_379] : memref<3x128x128xf32, #tpu.memory_space<vmem>> -> memref<1x128x128xf32, #tpu.memory_space<vmem>>
    %dma_wait3A_381 = tpu.memref_squeeze %dma_wait3A_380 : memref<1x128x128xf32, #tpu.memory_space<vmem>> -> memref<128x128xf32, #tpu.memory_space<vmem>>
    %dma_wait3A_382 = arith.constant 384 : i32
    %dma_wait3A_383 = tpu.memref_slice %arg7[%dma_wait3A_382] : memref<1024xi32, #tpu.memory_space<vmem>> -> memref<128xi32, #tpu.memory_space<vmem>>
    %dma_wait3A_384 = arith.constant 0 : i32
    %dma_wait3A_385 = arith.constant 0 : i32
    %dma_wait3A_386 = tpu.memref_slice %arg3[%dma_wait3A_384, %dma_wait3A_385] : memref<32768x128xf32, #tpu.memory_space<hbm>> -> memref<32768x128xf32, #tpu.memory_space<hbm>>
    tpu.wait_indirect_dma semaphore(%arg10 : memref<!tpu.dma_semaphore, #tpu.memory_space<semaphore_mem>>) src(%dma_wait3A_386 : memref<32768x128xf32, #tpu.memory_space<hbm>>) dst(%dma_wait3A_381 : memref<128x128xf32, #tpu.memory_space<vmem>>)
    %dma_start3A_387 = arith.constant 0 : i32
    %dma_start3A_388 = arith.constant 0 : i32
    %dma_start3A_389 = arith.constant 0 : i32
    %dma_start3A_390 = tpu.memref_slice %arg8[%dma_start3A_387, %dma_start3A_388, %dma_start3A_389] : memref<3x128x128xf32, #tpu.memory_space<vmem>> -> memref<1x128x128xf32, #tpu.memory_space<vmem>>
    %dma_start3A_391 = tpu.memref_squeeze %dma_start3A_390 : memref<1x128x128xf32, #tpu.memory_space<vmem>> -> memref<128x128xf32, #tpu.memory_space<vmem>>
    %dma_start3A_392 = arith.constant 0 : i32
    %dma_start3A_393 = tpu.memref_slice %arg5[%add3A_376, %dma_start3A_392] : memref<32768x128xf32, #tpu.memory_space<hbm>> -> memref<128x128xf32, #tpu.memory_space<hbm>>
    %dma_start3A_394 = arith.constant 0 : i32
    %dma_start3A_395 = tpu.memref_slice %arg5[%add3A_376, %dma_start3A_394] : memref<32768x128xf32, #tpu.memory_space<hbm>> -> memref<128x128xf32, #tpu.memory_space<hbm>>
    %dma_start3A_396 = arith.constant 0 : i32
    %dma_start3A_397 = arith.constant 0 : i32
    %dma_start3A_398 = tpu.memref_slice %arg8[%dma_start3A_387, %dma_start3A_396, %dma_start3A_397] : memref<3x128x128xf32, #tpu.memory_space<vmem>> -> memref<1x128x128xf32, #tpu.memory_space<vmem>>
    %dma_start3A_399 = tpu.memref_squeeze %dma_start3A_398 : memref<1x128x128xf32, #tpu.memory_space<vmem>> -> memref<128x128xf32, #tpu.memory_space<vmem>>
    tpu.enqueue_dma source(%dma_start3A_399 : memref<128x128xf32, #tpu.memory_space<vmem>>) target(%dma_start3A_395 : memref<128x128xf32, #tpu.memory_space<hbm>>) target_semaphore(%arg16 : memref<!tpu.dma_semaphore, #tpu.memory_space<semaphore_mem>>)
    %dma_wait3A_400 = arith.constant 0 : i32
    %dma_wait3A_401 = arith.constant 0 : i32
    %dma_wait3A_402 = arith.constant 0 : i32
    %dma_wait3A_403 = tpu.memref_slice %arg9[%dma_wait3A_400, %dma_wait3A_401, %dma_wait3A_402] : memref<3x128x128xf32, #tpu.memory_space<vmem>> -> memref<1x128x128xf32, #tpu.memory_space<vmem>>
    %dma_wait3A_404 = tpu.memref_squeeze %dma_wait3A_403 : memref<1x128x128xf32, #tpu.memory_space<vmem>> -> memref<128x128xf32, #tpu.memory_space<vmem>>
    %dma_wait3A_405 = arith.constant 384 : i32
    %dma_wait3A_406 = tpu.memref_slice %arg7[%dma_wait3A_405] : memref<1024xi32, #tpu.memory_space<vmem>> -> memref<128xi32, #tpu.memory_space<vmem>>
    %dma_wait3A_407 = arith.constant 0 : i32
    %dma_wait3A_408 = arith.constant 0 : i32
    %dma_wait3A_409 = tpu.memref_slice %arg4[%dma_wait3A_407, %dma_wait3A_408] : memref<32768x128xf32, #tpu.memory_space<hbm>> -> memref<32768x128xf32, #tpu.memory_space<hbm>>
    tpu.wait_indirect_dma semaphore(%arg13 : memref<!tpu.dma_semaphore, #tpu.memory_space<semaphore_mem>>) src(%dma_wait3A_409 : memref<32768x128xf32, #tpu.memory_space<hbm>>) dst(%dma_wait3A_404 : memref<128x128xf32, #tpu.memory_space<vmem>>)
    %dma_start3A_410 = arith.constant 0 : i32
    %dma_start3A_411 = arith.constant 0 : i32
    %dma_start3A_412 = arith.constant 0 : i32
    %dma_start3A_413 = tpu.memref_slice %arg9[%dma_start3A_410, %dma_start3A_411, %dma_start3A_412] : memref<3x128x128xf32, #tpu.memory_space<vmem>> -> memref<1x128x128xf32, #tpu.memory_space<vmem>>
    %dma_start3A_414 = tpu.memref_squeeze %dma_start3A_413 : memref<1x128x128xf32, #tpu.memory_space<vmem>> -> memref<128x128xf32, #tpu.memory_space<vmem>>
    %dma_start3A_415 = arith.constant 0 : i32
    %dma_start3A_416 = tpu.memref_slice %arg6[%add3A_376, %dma_start3A_415] : memref<32768x128xf32, #tpu.memory_space<hbm>> -> memref<128x128xf32, #tpu.memory_space<hbm>>
    %dma_start3A_417 = arith.constant 0 : i32
    %dma_start3A_418 = tpu.memref_slice %arg6[%add3A_376, %dma_start3A_417] : memref<32768x128xf32, #tpu.memory_space<hbm>> -> memref<128x128xf32, #tpu.memory_space<hbm>>
    %dma_start3A_419 = arith.constant 0 : i32
    %dma_start3A_420 = arith.constant 0 : i32
    %dma_start3A_421 = tpu.memref_slice %arg9[%dma_start3A_410, %dma_start3A_419, %dma_start3A_420] : memref<3x128x128xf32, #tpu.memory_space<vmem>> -> memref<1x128x128xf32, #tpu.memory_space<vmem>>
    %dma_start3A_422 = tpu.memref_squeeze %dma_start3A_421 : memref<1x128x128xf32, #tpu.memory_space<vmem>> -> memref<128x128xf32, #tpu.memory_space<vmem>>
    tpu.enqueue_dma source(%dma_start3A_422 : memref<128x128xf32, #tpu.memory_space<vmem>>) target(%dma_start3A_418 : memref<128x128xf32, #tpu.memory_space<hbm>>) target_semaphore(%arg19 : memref<!tpu.dma_semaphore, #tpu.memory_space<semaphore_mem>>)
    %dma_wait3A_423 = arith.constant 0 : i32
    %dma_wait3A_424 = arith.constant 0 : i32
    %dma_wait3A_425 = arith.constant 0 : i32
    %dma_wait3A_426 = tpu.memref_slice %arg8[%dma_wait3A_423, %dma_wait3A_424, %dma_wait3A_425] : memref<3x128x128xf32, #tpu.memory_space<vmem>> -> memref<1x128x128xf32, #tpu.memory_space<vmem>>
    %dma_wait3A_427 = tpu.memref_squeeze %dma_wait3A_426 : memref<1x128x128xf32, #tpu.memory_space<vmem>> -> memref<128x128xf32, #tpu.memory_space<vmem>>
    %dma_wait3A_428 = arith.constant 0 : i32
    %dma_wait3A_429 = tpu.memref_slice %arg5[%add3A_376, %dma_wait3A_428] : memref<32768x128xf32, #tpu.memory_space<hbm>> -> memref<128x128xf32, #tpu.memory_space<hbm>>
    %dma_wait3A_430 = arith.constant 0 : i32
    %dma_wait3A_431 = tpu.memref_slice %arg5[%add3A_376, %dma_wait3A_430] : memref<32768x128xf32, #tpu.memory_space<hbm>> -> memref<128x128xf32, #tpu.memory_space<hbm>>
    %dma_wait3A_432 = arith.constant 0 : i32
    %dma_wait3A_433 = arith.constant 0 : i32
    %dma_wait3A_434 = tpu.memref_slice %arg8[%dma_wait3A_423, %dma_wait3A_432, %dma_wait3A_433] : memref<3x128x128xf32, #tpu.memory_space<vmem>> -> memref<1x128x128xf32, #tpu.memory_space<vmem>>
    %dma_wait3A_435 = tpu.memref_squeeze %dma_wait3A_434 : memref<1x128x128xf32, #tpu.memory_space<vmem>> -> memref<128x128xf32, #tpu.memory_space<vmem>>
    tpu.wait_dma2 semaphore(%arg16 : memref<!tpu.dma_semaphore, #tpu.memory_space<semaphore_mem>>) src(%dma_wait3A_435 : memref<128x128xf32, #tpu.memory_space<vmem>>) dst(%dma_wait3A_431 : memref<128x128xf32, #tpu.memory_space<hbm>>)
    %dma_wait3A_436 = arith.constant 0 : i32
    %dma_wait3A_437 = arith.constant 0 : i32
    %dma_wait3A_438 = arith.constant 0 : i32
    %dma_wait3A_439 = tpu.memref_slice %arg9[%dma_wait3A_436, %dma_wait3A_437, %dma_wait3A_438] : memref<3x128x128xf32, #tpu.memory_space<vmem>> -> memref<1x128x128xf32, #tpu.memory_space<vmem>>
    %dma_wait3A_440 = tpu.memref_squeeze %dma_wait3A_439 : memref<1x128x128xf32, #tpu.memory_space<vmem>> -> memref<128x128xf32, #tpu.memory_space<vmem>>
    %dma_wait3A_441 = arith.constant 0 : i32
    %dma_wait3A_442 = tpu.memref_slice %arg6[%add3A_376, %dma_wait3A_441] : memref<32768x128xf32, #tpu.memory_space<hbm>> -> memref<128x128xf32, #tpu.memory_space<hbm>>
    %dma_wait3A_443 = arith.constant 0 : i32
    %dma_wait3A_444 = tpu.memref_slice %arg6[%add3A_376, %dma_wait3A_443] : memref<32768x128xf32, #tpu.memory_space<hbm>> -> memref<128x128xf32, #tpu.memory_space<hbm>>
    %dma_wait3A_445 = arith.constant 0 : i32
    %dma_wait3A_446 = arith.constant 0 : i32
    %dma_wait3A_447 = tpu.memref_slice %arg9[%dma_wait3A_436, %dma_wait3A_445, %dma_wait3A_446] : memref<3x128x128xf32, #tpu.memory_space<vmem>> -> memref<1x128x128xf32, #tpu.memory_space<vmem>>
    %dma_wait3A_448 = tpu.memref_squeeze %dma_wait3A_447 : memref<1x128x128xf32, #tpu.memory_space<vmem>> -> memref<128x128xf32, #tpu.memory_space<vmem>>
    tpu.wait_dma2 semaphore(%arg19 : memref<!tpu.dma_semaphore, #tpu.memory_space<semaphore_mem>>) src(%dma_wait3A_448 : memref<128x128xf32, #tpu.memory_space<vmem>>) dst(%dma_wait3A_444 : memref<128x128xf32, #tpu.memory_space<hbm>>)
    %dma_start3A_449 = arith.constant 0 : i32
    %dma_start3A_450 = arith.constant 0 : i32
    %dma_start3A_451 = arith.constant 0 : i32
    %dma_start3A_452 = tpu.memref_slice %arg8[%dma_start3A_449, %dma_start3A_450, %dma_start3A_451] : memref<3x128x128xf32, #tpu.memory_space<vmem>> -> memref<1x128x128xf32, #tpu.memory_space<vmem>>
    %dma_start3A_453 = tpu.memref_squeeze %dma_start3A_452 : memref<1x128x128xf32, #tpu.memory_space<vmem>> -> memref<128x128xf32, #tpu.memory_space<vmem>>
    %dma_start3A_454 = arith.constant 768 : i32
    %dma_start3A_455 = tpu.memref_slice %arg7[%dma_start3A_454] : memref<1024xi32, #tpu.memory_space<vmem>> -> memref<128xi32, #tpu.memory_space<vmem>>
    %dma_start3A_456 = arith.constant 0 : i32
    %dma_start3A_457 = arith.constant 0 : i32
    %dma_start3A_458 = tpu.memref_slice %arg3[%dma_start3A_456, %dma_start3A_457] : memref<32768x128xf32, #tpu.memory_space<hbm>> -> memref<32768x128xf32, #tpu.memory_space<hbm>>
    tpu.enqueue_indirect_dma source(%dma_start3A_458 : memref<32768x128xf32, #tpu.memory_space<hbm>>) target(%dma_start3A_453 : memref<128x128xf32, #tpu.memory_space<vmem>>) offsets(%dma_start3A_455 : memref<128xi32, #tpu.memory_space<vmem>>) semaphore(%arg10 : memref<!tpu.dma_semaphore, #tpu.memory_space<semaphore_mem>>)
    %dma_start3A_459 = arith.constant 0 : i32
    %dma_start3A_460 = arith.constant 0 : i32
    %dma_start3A_461 = arith.constant 0 : i32
    %dma_start3A_462 = tpu.memref_slice %arg9[%dma_start3A_459, %dma_start3A_460, %dma_start3A_461] : memref<3x128x128xf32, #tpu.memory_space<vmem>> -> memref<1x128x128xf32, #tpu.memory_space<vmem>>
    %dma_start3A_463 = tpu.memref_squeeze %dma_start3A_462 : memref<1x128x128xf32, #tpu.memory_space<vmem>> -> memref<128x128xf32, #tpu.memory_space<vmem>>
    %dma_start3A_464 = arith.constant 768 : i32
    %dma_start3A_465 = tpu.memref_slice %arg7[%dma_start3A_464] : memref<1024xi32, #tpu.memory_space<vmem>> -> memref<128xi32, #tpu.memory_space<vmem>>
    %dma_start3A_466 = arith.constant 0 : i32
    %dma_start3A_467 = arith.constant 0 : i32
    %dma_start3A_468 = tpu.memref_slice %arg4[%dma_start3A_466, %dma_start3A_467] : memref<32768x128xf32, #tpu.memory_space<hbm>> -> memref<32768x128xf32, #tpu.memory_space<hbm>>
    tpu.enqueue_indirect_dma source(%dma_start3A_468 : memref<32768x128xf32, #tpu.memory_space<hbm>>) target(%dma_start3A_463 : memref<128x128xf32, #tpu.memory_space<vmem>>) offsets(%dma_start3A_465 : memref<128xi32, #tpu.memory_space<vmem>>) semaphore(%arg13 : memref<!tpu.dma_semaphore, #tpu.memory_space<semaphore_mem>>)
    %add3A_469 = arith.constant 512 : i32
    %add3A_470 = arith.addi %mul3A_34, %add3A_469 : i32
    %dma_wait3A_471 = arith.constant 1 : i32
    %dma_wait3A_472 = arith.constant 0 : i32
    %dma_wait3A_473 = arith.constant 0 : i32
    %dma_wait3A_474 = tpu.memref_slice %arg8[%dma_wait3A_471, %dma_wait3A_472, %dma_wait3A_473] : memref<3x128x128xf32, #tpu.memory_space<vmem>> -> memref<1x128x128xf32, #tpu.memory_space<vmem>>
    %dma_wait3A_475 = tpu.memref_squeeze %dma_wait3A_474 : memref<1x128x128xf32, #tpu.memory_space<vmem>> -> memref<128x128xf32, #tpu.memory_space<vmem>>
    %dma_wait3A_476 = arith.constant 512 : i32
    %dma_wait3A_477 = tpu.memref_slice %arg7[%dma_wait3A_476] : memref<1024xi32, #tpu.memory_space<vmem>> -> memref<128xi32, #tpu.memory_space<vmem>>
    %dma_wait3A_478 = arith.constant 0 : i32
    %dma_wait3A_479 = arith.constant 0 : i32
    %dma_wait3A_480 = tpu.memref_slice %arg3[%dma_wait3A_478, %dma_wait3A_479] : memref<32768x128xf32, #tpu.memory_space<hbm>> -> memref<32768x128xf32, #tpu.memory_space<hbm>>
    tpu.wait_indirect_dma semaphore(%arg11 : memref<!tpu.dma_semaphore, #tpu.memory_space<semaphore_mem>>) src(%dma_wait3A_480 : memref<32768x128xf32, #tpu.memory_space<hbm>>) dst(%dma_wait3A_475 : memref<128x128xf32, #tpu.memory_space<vmem>>)
    %dma_start3A_481 = arith.constant 1 : i32
    %dma_start3A_482 = arith.constant 0 : i32
    %dma_start3A_483 = arith.constant 0 : i32
    %dma_start3A_484 = tpu.memref_slice %arg8[%dma_start3A_481, %dma_start3A_482, %dma_start3A_483] : memref<3x128x128xf32, #tpu.memory_space<vmem>> -> memref<1x128x128xf32, #tpu.memory_space<vmem>>
    %dma_start3A_485 = tpu.memref_squeeze %dma_start3A_484 : memref<1x128x128xf32, #tpu.memory_space<vmem>> -> memref<128x128xf32, #tpu.memory_space<vmem>>
    %dma_start3A_486 = arith.constant 0 : i32
    %dma_start3A_487 = tpu.memref_slice %arg5[%add3A_470, %dma_start3A_486] : memref<32768x128xf32, #tpu.memory_space<hbm>> -> memref<128x128xf32, #tpu.memory_space<hbm>>
    %dma_start3A_488 = arith.constant 0 : i32
    %dma_start3A_489 = tpu.memref_slice %arg5[%add3A_470, %dma_start3A_488] : memref<32768x128xf32, #tpu.memory_space<hbm>> -> memref<128x128xf32, #tpu.memory_space<hbm>>
    %dma_start3A_490 = arith.constant 0 : i32
    %dma_start3A_491 = arith.constant 0 : i32
    %dma_start3A_492 = tpu.memref_slice %arg8[%dma_start3A_481, %dma_start3A_490, %dma_start3A_491] : memref<3x128x128xf32, #tpu.memory_space<vmem>> -> memref<1x128x128xf32, #tpu.memory_space<vmem>>
    %dma_start3A_493 = tpu.memref_squeeze %dma_start3A_492 : memref<1x128x128xf32, #tpu.memory_space<vmem>> -> memref<128x128xf32, #tpu.memory_space<vmem>>
    tpu.enqueue_dma source(%dma_start3A_493 : memref<128x128xf32, #tpu.memory_space<vmem>>) target(%dma_start3A_489 : memref<128x128xf32, #tpu.memory_space<hbm>>) target_semaphore(%arg17 : memref<!tpu.dma_semaphore, #tpu.memory_space<semaphore_mem>>)
    %dma_wait3A_494 = arith.constant 1 : i32
    %dma_wait3A_495 = arith.constant 0 : i32
    %dma_wait3A_496 = arith.constant 0 : i32
    %dma_wait3A_497 = tpu.memref_slice %arg9[%dma_wait3A_494, %dma_wait3A_495, %dma_wait3A_496] : memref<3x128x128xf32, #tpu.memory_space<vmem>> -> memref<1x128x128xf32, #tpu.memory_space<vmem>>
    %dma_wait3A_498 = tpu.memref_squeeze %dma_wait3A_497 : memref<1x128x128xf32, #tpu.memory_space<vmem>> -> memref<128x128xf32, #tpu.memory_space<vmem>>
    %dma_wait3A_499 = arith.constant 512 : i32
    %dma_wait3A_500 = tpu.memref_slice %arg7[%dma_wait3A_499] : memref<1024xi32, #tpu.memory_space<vmem>> -> memref<128xi32, #tpu.memory_space<vmem>>
    %dma_wait3A_501 = arith.constant 0 : i32
    %dma_wait3A_502 = arith.constant 0 : i32
    %dma_wait3A_503 = tpu.memref_slice %arg4[%dma_wait3A_501, %dma_wait3A_502] : memref<32768x128xf32, #tpu.memory_space<hbm>> -> memref<32768x128xf32, #tpu.memory_space<hbm>>
    tpu.wait_indirect_dma semaphore(%arg14 : memref<!tpu.dma_semaphore, #tpu.memory_space<semaphore_mem>>) src(%dma_wait3A_503 : memref<32768x128xf32, #tpu.memory_space<hbm>>) dst(%dma_wait3A_498 : memref<128x128xf32, #tpu.memory_space<vmem>>)
    %dma_start3A_504 = arith.constant 1 : i32
    %dma_start3A_505 = arith.constant 0 : i32
    %dma_start3A_506 = arith.constant 0 : i32
    %dma_start3A_507 = tpu.memref_slice %arg9[%dma_start3A_504, %dma_start3A_505, %dma_start3A_506] : memref<3x128x128xf32, #tpu.memory_space<vmem>> -> memref<1x128x128xf32, #tpu.memory_space<vmem>>
    %dma_start3A_508 = tpu.memref_squeeze %dma_start3A_507 : memref<1x128x128xf32, #tpu.memory_space<vmem>> -> memref<128x128xf32, #tpu.memory_space<vmem>>
    %dma_start3A_509 = arith.constant 0 : i32
    %dma_start3A_510 = tpu.memref_slice %arg6[%add3A_470, %dma_start3A_509] : memref<32768x128xf32, #tpu.memory_space<hbm>> -> memref<128x128xf32, #tpu.memory_space<hbm>>
    %dma_start3A_511 = arith.constant 0 : i32
    %dma_start3A_512 = tpu.memref_slice %arg6[%add3A_470, %dma_start3A_511] : memref<32768x128xf32, #tpu.memory_space<hbm>> -> memref<128x128xf32, #tpu.memory_space<hbm>>
    %dma_start3A_513 = arith.constant 0 : i32
    %dma_start3A_514 = arith.constant 0 : i32
    %dma_start3A_515 = tpu.memref_slice %arg9[%dma_start3A_504, %dma_start3A_513, %dma_start3A_514] : memref<3x128x128xf32, #tpu.memory_space<vmem>> -> memref<1x128x128xf32, #tpu.memory_space<vmem>>
    %dma_start3A_516 = tpu.memref_squeeze %dma_start3A_515 : memref<1x128x128xf32, #tpu.memory_space<vmem>> -> memref<128x128xf32, #tpu.memory_space<vmem>>
    tpu.enqueue_dma source(%dma_start3A_516 : memref<128x128xf32, #tpu.memory_space<vmem>>) target(%dma_start3A_512 : memref<128x128xf32, #tpu.memory_space<hbm>>) target_semaphore(%arg20 : memref<!tpu.dma_semaphore, #tpu.memory_space<semaphore_mem>>)
    %dma_wait3A_517 = arith.constant 1 : i32
    %dma_wait3A_518 = arith.constant 0 : i32
    %dma_wait3A_519 = arith.constant 0 : i32
    %dma_wait3A_520 = tpu.memref_slice %arg8[%dma_wait3A_517, %dma_wait3A_518, %dma_wait3A_519] : memref<3x128x128xf32, #tpu.memory_space<vmem>> -> memref<1x128x128xf32, #tpu.memory_space<vmem>>
    %dma_wait3A_521 = tpu.memref_squeeze %dma_wait3A_520 : memref<1x128x128xf32, #tpu.memory_space<vmem>> -> memref<128x128xf32, #tpu.memory_space<vmem>>
    %dma_wait3A_522 = arith.constant 0 : i32
    %dma_wait3A_523 = tpu.memref_slice %arg5[%add3A_470, %dma_wait3A_522] : memref<32768x128xf32, #tpu.memory_space<hbm>> -> memref<128x128xf32, #tpu.memory_space<hbm>>
    %dma_wait3A_524 = arith.constant 0 : i32
    %dma_wait3A_525 = tpu.memref_slice %arg5[%add3A_470, %dma_wait3A_524] : memref<32768x128xf32, #tpu.memory_space<hbm>> -> memref<128x128xf32, #tpu.memory_space<hbm>>
    %dma_wait3A_526 = arith.constant 0 : i32
    %dma_wait3A_527 = arith.constant 0 : i32
    %dma_wait3A_528 = tpu.memref_slice %arg8[%dma_wait3A_517, %dma_wait3A_526, %dma_wait3A_527] : memref<3x128x128xf32, #tpu.memory_space<vmem>> -> memref<1x128x128xf32, #tpu.memory_space<vmem>>
    %dma_wait3A_529 = tpu.memref_squeeze %dma_wait3A_528 : memref<1x128x128xf32, #tpu.memory_space<vmem>> -> memref<128x128xf32, #tpu.memory_space<vmem>>
    tpu.wait_dma2 semaphore(%arg17 : memref<!tpu.dma_semaphore, #tpu.memory_space<semaphore_mem>>) src(%dma_wait3A_529 : memref<128x128xf32, #tpu.memory_space<vmem>>) dst(%dma_wait3A_525 : memref<128x128xf32, #tpu.memory_space<hbm>>)
    %dma_wait3A_530 = arith.constant 1 : i32
    %dma_wait3A_531 = arith.constant 0 : i32
    %dma_wait3A_532 = arith.constant 0 : i32
    %dma_wait3A_533 = tpu.memref_slice %arg9[%dma_wait3A_530, %dma_wait3A_531, %dma_wait3A_532] : memref<3x128x128xf32, #tpu.memory_space<vmem>> -> memref<1x128x128xf32, #tpu.memory_space<vmem>>
    %dma_wait3A_534 = tpu.memref_squeeze %dma_wait3A_533 : memref<1x128x128xf32, #tpu.memory_space<vmem>> -> memref<128x128xf32, #tpu.memory_space<vmem>>
    %dma_wait3A_535 = arith.constant 0 : i32
    %dma_wait3A_536 = tpu.memref_slice %arg6[%add3A_470, %dma_wait3A_535] : memref<32768x128xf32, #tpu.memory_space<hbm>> -> memref<128x128xf32, #tpu.memory_space<hbm>>
    %dma_wait3A_537 = arith.constant 0 : i32
    %dma_wait3A_538 = tpu.memref_slice %arg6[%add3A_470, %dma_wait3A_537] : memref<32768x128xf32, #tpu.memory_space<hbm>> -> memref<128x128xf32, #tpu.memory_space<hbm>>
    %dma_wait3A_539 = arith.constant 0 : i32
    %dma_wait3A_540 = arith.constant 0 : i32
    %dma_wait3A_541 = tpu.memref_slice %arg9[%dma_wait3A_530, %dma_wait3A_539, %dma_wait3A_540] : memref<3x128x128xf32, #tpu.memory_space<vmem>> -> memref<1x128x128xf32, #tpu.memory_space<vmem>>
    %dma_wait3A_542 = tpu.memref_squeeze %dma_wait3A_541 : memref<1x128x128xf32, #tpu.memory_space<vmem>> -> memref<128x128xf32, #tpu.memory_space<vmem>>
    tpu.wait_dma2 semaphore(%arg20 : memref<!tpu.dma_semaphore, #tpu.memory_space<semaphore_mem>>) src(%dma_wait3A_542 : memref<128x128xf32, #tpu.memory_space<vmem>>) dst(%dma_wait3A_538 : memref<128x128xf32, #tpu.memory_space<hbm>>)
    %dma_start3A_543 = arith.constant 1 : i32
    %dma_start3A_544 = arith.constant 0 : i32
    %dma_start3A_545 = arith.constant 0 : i32
    %dma_start3A_546 = tpu.memref_slice %arg8[%dma_start3A_543, %dma_start3A_544, %dma_start3A_545] : memref<3x128x128xf32, #tpu.memory_space<vmem>> -> memref<1x128x128xf32, #tpu.memory_space<vmem>>
    %dma_start3A_547 = tpu.memref_squeeze %dma_start3A_546 : memref<1x128x128xf32, #tpu.memory_space<vmem>> -> memref<128x128xf32, #tpu.memory_space<vmem>>
    %dma_start3A_548 = arith.constant 896 : i32
    %dma_start3A_549 = tpu.memref_slice %arg7[%dma_start3A_548] : memref<1024xi32, #tpu.memory_space<vmem>> -> memref<128xi32, #tpu.memory_space<vmem>>
    %dma_start3A_550 = arith.constant 0 : i32
    %dma_start3A_551 = arith.constant 0 : i32
    %dma_start3A_552 = tpu.memref_slice %arg3[%dma_start3A_550, %dma_start3A_551] : memref<32768x128xf32, #tpu.memory_space<hbm>> -> memref<32768x128xf32, #tpu.memory_space<hbm>>
    tpu.enqueue_indirect_dma source(%dma_start3A_552 : memref<32768x128xf32, #tpu.memory_space<hbm>>) target(%dma_start3A_547 : memref<128x128xf32, #tpu.memory_space<vmem>>) offsets(%dma_start3A_549 : memref<128xi32, #tpu.memory_space<vmem>>) semaphore(%arg11 : memref<!tpu.dma_semaphore, #tpu.memory_space<semaphore_mem>>)
    %dma_start3A_553 = arith.constant 1 : i32
    %dma_start3A_554 = arith.constant 0 : i32
    %dma_start3A_555 = arith.constant 0 : i32
    %dma_start3A_556 = tpu.memref_slice %arg9[%dma_start3A_553, %dma_start3A_554, %dma_start3A_555] : memref<3x128x128xf32, #tpu.memory_space<vmem>> -> memref<1x128x128xf32, #tpu.memory_space<vmem>>
    %dma_start3A_557 = tpu.memref_squeeze %dma_start3A_556 : memref<1x128x128xf32, #tpu.memory_space<vmem>> -> memref<128x128xf32, #tpu.memory_space<vmem>>
    %dma_start3A_558 = arith.constant 896 : i32
    %dma_start3A_559 = tpu.memref_slice %arg7[%dma_start3A_558] : memref<1024xi32, #tpu.memory_space<vmem>> -> memref<128xi32, #tpu.memory_space<vmem>>
    %dma_start3A_560 = arith.constant 0 : i32
    %dma_start3A_561 = arith.constant 0 : i32
    %dma_start3A_562 = tpu.memref_slice %arg4[%dma_start3A_560, %dma_start3A_561] : memref<32768x128xf32, #tpu.memory_space<hbm>> -> memref<32768x128xf32, #tpu.memory_space<hbm>>
    tpu.enqueue_indirect_dma source(%dma_start3A_562 : memref<32768x128xf32, #tpu.memory_space<hbm>>) target(%dma_start3A_557 : memref<128x128xf32, #tpu.memory_space<vmem>>) offsets(%dma_start3A_559 : memref<128xi32, #tpu.memory_space<vmem>>) semaphore(%arg14 : memref<!tpu.dma_semaphore, #tpu.memory_space<semaphore_mem>>)
    %add3A_563 = arith.constant 640 : i32
    %add3A_564 = arith.addi %mul3A_34, %add3A_563 : i32
    %dma_wait3A_565 = arith.constant 2 : i32
    %dma_wait3A_566 = arith.constant 0 : i32
    %dma_wait3A_567 = arith.constant 0 : i32
    %dma_wait3A_568 = tpu.memref_slice %arg8[%dma_wait3A_565, %dma_wait3A_566, %dma_wait3A_567] : memref<3x128x128xf32, #tpu.memory_space<vmem>> -> memref<1x128x128xf32, #tpu.memory_space<vmem>>
    %dma_wait3A_569 = tpu.memref_squeeze %dma_wait3A_568 : memref<1x128x128xf32, #tpu.memory_space<vmem>> -> memref<128x128xf32, #tpu.memory_space<vmem>>
    %dma_wait3A_570 = arith.constant 640 : i32
    %dma_wait3A_571 = tpu.memref_slice %arg7[%dma_wait3A_570] : memref<1024xi32, #tpu.memory_space<vmem>> -> memref<128xi32, #tpu.memory_space<vmem>>
    %dma_wait3A_572 = arith.constant 0 : i32
    %dma_wait3A_573 = arith.constant 0 : i32
    %dma_wait3A_574 = tpu.memref_slice %arg3[%dma_wait3A_572, %dma_wait3A_573] : memref<32768x128xf32, #tpu.memory_space<hbm>> -> memref<32768x128xf32, #tpu.memory_space<hbm>>
    tpu.wait_indirect_dma semaphore(%arg12 : memref<!tpu.dma_semaphore, #tpu.memory_space<semaphore_mem>>) src(%dma_wait3A_574 : memref<32768x128xf32, #tpu.memory_space<hbm>>) dst(%dma_wait3A_569 : memref<128x128xf32, #tpu.memory_space<vmem>>)
    %dma_start3A_575 = arith.constant 2 : i32
    %dma_start3A_576 = arith.constant 0 : i32
    %dma_start3A_577 = arith.constant 0 : i32
    %dma_start3A_578 = tpu.memref_slice %arg8[%dma_start3A_575, %dma_start3A_576, %dma_start3A_577] : memref<3x128x128xf32, #tpu.memory_space<vmem>> -> memref<1x128x128xf32, #tpu.memory_space<vmem>>
    %dma_start3A_579 = tpu.memref_squeeze %dma_start3A_578 : memref<1x128x128xf32, #tpu.memory_space<vmem>> -> memref<128x128xf32, #tpu.memory_space<vmem>>
    %dma_start3A_580 = arith.constant 0 : i32
    %dma_start3A_581 = tpu.memref_slice %arg5[%add3A_564, %dma_start3A_580] : memref<32768x128xf32, #tpu.memory_space<hbm>> -> memref<128x128xf32, #tpu.memory_space<hbm>>
    %dma_start3A_582 = arith.constant 0 : i32
    %dma_start3A_583 = tpu.memref_slice %arg5[%add3A_564, %dma_start3A_582] : memref<32768x128xf32, #tpu.memory_space<hbm>> -> memref<128x128xf32, #tpu.memory_space<hbm>>
    %dma_start3A_584 = arith.constant 0 : i32
    %dma_start3A_585 = arith.constant 0 : i32
    %dma_start3A_586 = tpu.memref_slice %arg8[%dma_start3A_575, %dma_start3A_584, %dma_start3A_585] : memref<3x128x128xf32, #tpu.memory_space<vmem>> -> memref<1x128x128xf32, #tpu.memory_space<vmem>>
    %dma_start3A_587 = tpu.memref_squeeze %dma_start3A_586 : memref<1x128x128xf32, #tpu.memory_space<vmem>> -> memref<128x128xf32, #tpu.memory_space<vmem>>
    tpu.enqueue_dma source(%dma_start3A_587 : memref<128x128xf32, #tpu.memory_space<vmem>>) target(%dma_start3A_583 : memref<128x128xf32, #tpu.memory_space<hbm>>) target_semaphore(%arg18 : memref<!tpu.dma_semaphore, #tpu.memory_space<semaphore_mem>>)
    %dma_wait3A_588 = arith.constant 2 : i32
    %dma_wait3A_589 = arith.constant 0 : i32
    %dma_wait3A_590 = arith.constant 0 : i32
    %dma_wait3A_591 = tpu.memref_slice %arg9[%dma_wait3A_588, %dma_wait3A_589, %dma_wait3A_590] : memref<3x128x128xf32, #tpu.memory_space<vmem>> -> memref<1x128x128xf32, #tpu.memory_space<vmem>>
    %dma_wait3A_592 = tpu.memref_squeeze %dma_wait3A_591 : memref<1x128x128xf32, #tpu.memory_space<vmem>> -> memref<128x128xf32, #tpu.memory_space<vmem>>
    %dma_wait3A_593 = arith.constant 640 : i32
    %dma_wait3A_594 = tpu.memref_slice %arg7[%dma_wait3A_593] : memref<1024xi32, #tpu.memory_space<vmem>> -> memref<128xi32, #tpu.memory_space<vmem>>
    %dma_wait3A_595 = arith.constant 0 : i32
    %dma_wait3A_596 = arith.constant 0 : i32
    %dma_wait3A_597 = tpu.memref_slice %arg4[%dma_wait3A_595, %dma_wait3A_596] : memref<32768x128xf32, #tpu.memory_space<hbm>> -> memref<32768x128xf32, #tpu.memory_space<hbm>>
    tpu.wait_indirect_dma semaphore(%arg15 : memref<!tpu.dma_semaphore, #tpu.memory_space<semaphore_mem>>) src(%dma_wait3A_597 : memref<32768x128xf32, #tpu.memory_space<hbm>>) dst(%dma_wait3A_592 : memref<128x128xf32, #tpu.memory_space<vmem>>)
    %dma_start3A_598 = arith.constant 2 : i32
    %dma_start3A_599 = arith.constant 0 : i32
    %dma_start3A_600 = arith.constant 0 : i32
    %dma_start3A_601 = tpu.memref_slice %arg9[%dma_start3A_598, %dma_start3A_599, %dma_start3A_600] : memref<3x128x128xf32, #tpu.memory_space<vmem>> -> memref<1x128x128xf32, #tpu.memory_space<vmem>>
    %dma_start3A_602 = tpu.memref_squeeze %dma_start3A_601 : memref<1x128x128xf32, #tpu.memory_space<vmem>> -> memref<128x128xf32, #tpu.memory_space<vmem>>
    %dma_start3A_603 = arith.constant 0 : i32
    %dma_start3A_604 = tpu.memref_slice %arg6[%add3A_564, %dma_start3A_603] : memref<32768x128xf32, #tpu.memory_space<hbm>> -> memref<128x128xf32, #tpu.memory_space<hbm>>
    %dma_start3A_605 = arith.constant 0 : i32
    %dma_start3A_606 = tpu.memref_slice %arg6[%add3A_564, %dma_start3A_605] : memref<32768x128xf32, #tpu.memory_space<hbm>> -> memref<128x128xf32, #tpu.memory_space<hbm>>
    %dma_start3A_607 = arith.constant 0 : i32
    %dma_start3A_608 = arith.constant 0 : i32
    %dma_start3A_609 = tpu.memref_slice %arg9[%dma_start3A_598, %dma_start3A_607, %dma_start3A_608] : memref<3x128x128xf32, #tpu.memory_space<vmem>> -> memref<1x128x128xf32, #tpu.memory_space<vmem>>
    %dma_start3A_610 = tpu.memref_squeeze %dma_start3A_609 : memref<1x128x128xf32, #tpu.memory_space<vmem>> -> memref<128x128xf32, #tpu.memory_space<vmem>>
    tpu.enqueue_dma source(%dma_start3A_610 : memref<128x128xf32, #tpu.memory_space<vmem>>) target(%dma_start3A_606 : memref<128x128xf32, #tpu.memory_space<hbm>>) target_semaphore(%arg21 : memref<!tpu.dma_semaphore, #tpu.memory_space<semaphore_mem>>)
    %add3A_611 = arith.constant 768 : i32
    %add3A_612 = arith.addi %mul3A_34, %add3A_611 : i32
    %dma_wait3A_613 = arith.constant 0 : i32
    %dma_wait3A_614 = arith.constant 0 : i32
    %dma_wait3A_615 = arith.constant 0 : i32
    %dma_wait3A_616 = tpu.memref_slice %arg8[%dma_wait3A_613, %dma_wait3A_614, %dma_wait3A_615] : memref<3x128x128xf32, #tpu.memory_space<vmem>> -> memref<1x128x128xf32, #tpu.memory_space<vmem>>
    %dma_wait3A_617 = tpu.memref_squeeze %dma_wait3A_616 : memref<1x128x128xf32, #tpu.memory_space<vmem>> -> memref<128x128xf32, #tpu.memory_space<vmem>>
    %dma_wait3A_618 = arith.constant 768 : i32
    %dma_wait3A_619 = tpu.memref_slice %arg7[%dma_wait3A_618] : memref<1024xi32, #tpu.memory_space<vmem>> -> memref<128xi32, #tpu.memory_space<vmem>>
    %dma_wait3A_620 = arith.constant 0 : i32
    %dma_wait3A_621 = arith.constant 0 : i32
    %dma_wait3A_622 = tpu.memref_slice %arg3[%dma_wait3A_620, %dma_wait3A_621] : memref<32768x128xf32, #tpu.memory_space<hbm>> -> memref<32768x128xf32, #tpu.memory_space<hbm>>
    tpu.wait_indirect_dma semaphore(%arg10 : memref<!tpu.dma_semaphore, #tpu.memory_space<semaphore_mem>>) src(%dma_wait3A_622 : memref<32768x128xf32, #tpu.memory_space<hbm>>) dst(%dma_wait3A_617 : memref<128x128xf32, #tpu.memory_space<vmem>>)
    %dma_start3A_623 = arith.constant 0 : i32
    %dma_start3A_624 = arith.constant 0 : i32
    %dma_start3A_625 = arith.constant 0 : i32
    %dma_start3A_626 = tpu.memref_slice %arg8[%dma_start3A_623, %dma_start3A_624, %dma_start3A_625] : memref<3x128x128xf32, #tpu.memory_space<vmem>> -> memref<1x128x128xf32, #tpu.memory_space<vmem>>
    %dma_start3A_627 = tpu.memref_squeeze %dma_start3A_626 : memref<1x128x128xf32, #tpu.memory_space<vmem>> -> memref<128x128xf32, #tpu.memory_space<vmem>>
    %dma_start3A_628 = arith.constant 0 : i32
    %dma_start3A_629 = tpu.memref_slice %arg5[%add3A_612, %dma_start3A_628] : memref<32768x128xf32, #tpu.memory_space<hbm>> -> memref<128x128xf32, #tpu.memory_space<hbm>>
    %dma_start3A_630 = arith.constant 0 : i32
    %dma_start3A_631 = tpu.memref_slice %arg5[%add3A_612, %dma_start3A_630] : memref<32768x128xf32, #tpu.memory_space<hbm>> -> memref<128x128xf32, #tpu.memory_space<hbm>>
    %dma_start3A_632 = arith.constant 0 : i32
    %dma_start3A_633 = arith.constant 0 : i32
    %dma_start3A_634 = tpu.memref_slice %arg8[%dma_start3A_623, %dma_start3A_632, %dma_start3A_633] : memref<3x128x128xf32, #tpu.memory_space<vmem>> -> memref<1x128x128xf32, #tpu.memory_space<vmem>>
    %dma_start3A_635 = tpu.memref_squeeze %dma_start3A_634 : memref<1x128x128xf32, #tpu.memory_space<vmem>> -> memref<128x128xf32, #tpu.memory_space<vmem>>
    tpu.enqueue_dma source(%dma_start3A_635 : memref<128x128xf32, #tpu.memory_space<vmem>>) target(%dma_start3A_631 : memref<128x128xf32, #tpu.memory_space<hbm>>) target_semaphore(%arg16 : memref<!tpu.dma_semaphore, #tpu.memory_space<semaphore_mem>>)
    %dma_wait3A_636 = arith.constant 0 : i32
    %dma_wait3A_637 = arith.constant 0 : i32
    %dma_wait3A_638 = arith.constant 0 : i32
    %dma_wait3A_639 = tpu.memref_slice %arg9[%dma_wait3A_636, %dma_wait3A_637, %dma_wait3A_638] : memref<3x128x128xf32, #tpu.memory_space<vmem>> -> memref<1x128x128xf32, #tpu.memory_space<vmem>>
    %dma_wait3A_640 = tpu.memref_squeeze %dma_wait3A_639 : memref<1x128x128xf32, #tpu.memory_space<vmem>> -> memref<128x128xf32, #tpu.memory_space<vmem>>
    %dma_wait3A_641 = arith.constant 768 : i32
    %dma_wait3A_642 = tpu.memref_slice %arg7[%dma_wait3A_641] : memref<1024xi32, #tpu.memory_space<vmem>> -> memref<128xi32, #tpu.memory_space<vmem>>
    %dma_wait3A_643 = arith.constant 0 : i32
    %dma_wait3A_644 = arith.constant 0 : i32
    %dma_wait3A_645 = tpu.memref_slice %arg4[%dma_wait3A_643, %dma_wait3A_644] : memref<32768x128xf32, #tpu.memory_space<hbm>> -> memref<32768x128xf32, #tpu.memory_space<hbm>>
    tpu.wait_indirect_dma semaphore(%arg13 : memref<!tpu.dma_semaphore, #tpu.memory_space<semaphore_mem>>) src(%dma_wait3A_645 : memref<32768x128xf32, #tpu.memory_space<hbm>>) dst(%dma_wait3A_640 : memref<128x128xf32, #tpu.memory_space<vmem>>)
    %dma_start3A_646 = arith.constant 0 : i32
    %dma_start3A_647 = arith.constant 0 : i32
    %dma_start3A_648 = arith.constant 0 : i32
    %dma_start3A_649 = tpu.memref_slice %arg9[%dma_start3A_646, %dma_start3A_647, %dma_start3A_648] : memref<3x128x128xf32, #tpu.memory_space<vmem>> -> memref<1x128x128xf32, #tpu.memory_space<vmem>>
    %dma_start3A_650 = tpu.memref_squeeze %dma_start3A_649 : memref<1x128x128xf32, #tpu.memory_space<vmem>> -> memref<128x128xf32, #tpu.memory_space<vmem>>
    %dma_start3A_651 = arith.constant 0 : i32
    %dma_start3A_652 = tpu.memref_slice %arg6[%add3A_612, %dma_start3A_651] : memref<32768x128xf32, #tpu.memory_space<hbm>> -> memref<128x128xf32, #tpu.memory_space<hbm>>
    %dma_start3A_653 = arith.constant 0 : i32
    %dma_start3A_654 = tpu.memref_slice %arg6[%add3A_612, %dma_start3A_653] : memref<32768x128xf32, #tpu.memory_space<hbm>> -> memref<128x128xf32, #tpu.memory_space<hbm>>
    %dma_start3A_655 = arith.constant 0 : i32
    %dma_start3A_656 = arith.constant 0 : i32
    %dma_start3A_657 = tpu.memref_slice %arg9[%dma_start3A_646, %dma_start3A_655, %dma_start3A_656] : memref<3x128x128xf32, #tpu.memory_space<vmem>> -> memref<1x128x128xf32, #tpu.memory_space<vmem>>
    %dma_start3A_658 = tpu.memref_squeeze %dma_start3A_657 : memref<1x128x128xf32, #tpu.memory_space<vmem>> -> memref<128x128xf32, #tpu.memory_space<vmem>>
    tpu.enqueue_dma source(%dma_start3A_658 : memref<128x128xf32, #tpu.memory_space<vmem>>) target(%dma_start3A_654 : memref<128x128xf32, #tpu.memory_space<hbm>>) target_semaphore(%arg19 : memref<!tpu.dma_semaphore, #tpu.memory_space<semaphore_mem>>)
    %add3A_659 = arith.constant 896 : i32
    %add3A_660 = arith.addi %mul3A_34, %add3A_659 : i32
    %dma_wait3A_661 = arith.constant 1 : i32
    %dma_wait3A_662 = arith.constant 0 : i32
    %dma_wait3A_663 = arith.constant 0 : i32
    %dma_wait3A_664 = tpu.memref_slice %arg8[%dma_wait3A_661, %dma_wait3A_662, %dma_wait3A_663] : memref<3x128x128xf32, #tpu.memory_space<vmem>> -> memref<1x128x128xf32, #tpu.memory_space<vmem>>
    %dma_wait3A_665 = tpu.memref_squeeze %dma_wait3A_664 : memref<1x128x128xf32, #tpu.memory_space<vmem>> -> memref<128x128xf32, #tpu.memory_space<vmem>>
    %dma_wait3A_666 = arith.constant 896 : i32
    %dma_wait3A_667 = tpu.memref_slice %arg7[%dma_wait3A_666] : memref<1024xi32, #tpu.memory_space<vmem>> -> memref<128xi32, #tpu.memory_space<vmem>>
    %dma_wait3A_668 = arith.constant 0 : i32
    %dma_wait3A_669 = arith.constant 0 : i32
    %dma_wait3A_670 = tpu.memref_slice %arg3[%dma_wait3A_668, %dma_wait3A_669] : memref<32768x128xf32, #tpu.memory_space<hbm>> -> memref<32768x128xf32, #tpu.memory_space<hbm>>
    tpu.wait_indirect_dma semaphore(%arg11 : memref<!tpu.dma_semaphore, #tpu.memory_space<semaphore_mem>>) src(%dma_wait3A_670 : memref<32768x128xf32, #tpu.memory_space<hbm>>) dst(%dma_wait3A_665 : memref<128x128xf32, #tpu.memory_space<vmem>>)
    %dma_start3A_671 = arith.constant 1 : i32
    %dma_start3A_672 = arith.constant 0 : i32
    %dma_start3A_673 = arith.constant 0 : i32
    %dma_start3A_674 = tpu.memref_slice %arg8[%dma_start3A_671, %dma_start3A_672, %dma_start3A_673] : memref<3x128x128xf32, #tpu.memory_space<vmem>> -> memref<1x128x128xf32, #tpu.memory_space<vmem>>
    %dma_start3A_675 = tpu.memref_squeeze %dma_start3A_674 : memref<1x128x128xf32, #tpu.memory_space<vmem>> -> memref<128x128xf32, #tpu.memory_space<vmem>>
    %dma_start3A_676 = arith.constant 0 : i32
    %dma_start3A_677 = tpu.memref_slice %arg5[%add3A_660, %dma_start3A_676] : memref<32768x128xf32, #tpu.memory_space<hbm>> -> memref<128x128xf32, #tpu.memory_space<hbm>>
    %dma_start3A_678 = arith.constant 0 : i32
    %dma_start3A_679 = tpu.memref_slice %arg5[%add3A_660, %dma_start3A_678] : memref<32768x128xf32, #tpu.memory_space<hbm>> -> memref<128x128xf32, #tpu.memory_space<hbm>>
    %dma_start3A_680 = arith.constant 0 : i32
    %dma_start3A_681 = arith.constant 0 : i32
    %dma_start3A_682 = tpu.memref_slice %arg8[%dma_start3A_671, %dma_start3A_680, %dma_start3A_681] : memref<3x128x128xf32, #tpu.memory_space<vmem>> -> memref<1x128x128xf32, #tpu.memory_space<vmem>>
    %dma_start3A_683 = tpu.memref_squeeze %dma_start3A_682 : memref<1x128x128xf32, #tpu.memory_space<vmem>> -> memref<128x128xf32, #tpu.memory_space<vmem>>
    tpu.enqueue_dma source(%dma_start3A_683 : memref<128x128xf32, #tpu.memory_space<vmem>>) target(%dma_start3A_679 : memref<128x128xf32, #tpu.memory_space<hbm>>) target_semaphore(%arg17 : memref<!tpu.dma_semaphore, #tpu.memory_space<semaphore_mem>>)
    %dma_wait3A_684 = arith.constant 1 : i32
    %dma_wait3A_685 = arith.constant 0 : i32
    %dma_wait3A_686 = arith.constant 0 : i32
    %dma_wait3A_687 = tpu.memref_slice %arg9[%dma_wait3A_684, %dma_wait3A_685, %dma_wait3A_686] : memref<3x128x128xf32, #tpu.memory_space<vmem>> -> memref<1x128x128xf32, #tpu.memory_space<vmem>>
    %dma_wait3A_688 = tpu.memref_squeeze %dma_wait3A_687 : memref<1x128x128xf32, #tpu.memory_space<vmem>> -> memref<128x128xf32, #tpu.memory_space<vmem>>
    %dma_wait3A_689 = arith.constant 896 : i32
    %dma_wait3A_690 = tpu.memref_slice %arg7[%dma_wait3A_689] : memref<1024xi32, #tpu.memory_space<vmem>> -> memref<128xi32, #tpu.memory_space<vmem>>
    %dma_wait3A_691 = arith.constant 0 : i32
    %dma_wait3A_692 = arith.constant 0 : i32
    %dma_wait3A_693 = tpu.memref_slice %arg4[%dma_wait3A_691, %dma_wait3A_692] : memref<32768x128xf32, #tpu.memory_space<hbm>> -> memref<32768x128xf32, #tpu.memory_space<hbm>>
    tpu.wait_indirect_dma semaphore(%arg14 : memref<!tpu.dma_semaphore, #tpu.memory_space<semaphore_mem>>) src(%dma_wait3A_693 : memref<32768x128xf32, #tpu.memory_space<hbm>>) dst(%dma_wait3A_688 : memref<128x128xf32, #tpu.memory_space<vmem>>)
    %dma_start3A_694 = arith.constant 1 : i32
    %dma_start3A_695 = arith.constant 0 : i32
    %dma_start3A_696 = arith.constant 0 : i32
    %dma_start3A_697 = tpu.memref_slice %arg9[%dma_start3A_694, %dma_start3A_695, %dma_start3A_696] : memref<3x128x128xf32, #tpu.memory_space<vmem>> -> memref<1x128x128xf32, #tpu.memory_space<vmem>>
    %dma_start3A_698 = tpu.memref_squeeze %dma_start3A_697 : memref<1x128x128xf32, #tpu.memory_space<vmem>> -> memref<128x128xf32, #tpu.memory_space<vmem>>
    %dma_start3A_699 = arith.constant 0 : i32
    %dma_start3A_700 = tpu.memref_slice %arg6[%add3A_660, %dma_start3A_699] : memref<32768x128xf32, #tpu.memory_space<hbm>> -> memref<128x128xf32, #tpu.memory_space<hbm>>
    %dma_start3A_701 = arith.constant 0 : i32
    %dma_start3A_702 = tpu.memref_slice %arg6[%add3A_660, %dma_start3A_701] : memref<32768x128xf32, #tpu.memory_space<hbm>> -> memref<128x128xf32, #tpu.memory_space<hbm>>
    %dma_start3A_703 = arith.constant 0 : i32
    %dma_start3A_704 = arith.constant 0 : i32
    %dma_start3A_705 = tpu.memref_slice %arg9[%dma_start3A_694, %dma_start3A_703, %dma_start3A_704] : memref<3x128x128xf32, #tpu.memory_space<vmem>> -> memref<1x128x128xf32, #tpu.memory_space<vmem>>
    %dma_start3A_706 = tpu.memref_squeeze %dma_start3A_705 : memref<1x128x128xf32, #tpu.memory_space<vmem>> -> memref<128x128xf32, #tpu.memory_space<vmem>>
    tpu.enqueue_dma source(%dma_start3A_706 : memref<128x128xf32, #tpu.memory_space<vmem>>) target(%dma_start3A_702 : memref<128x128xf32, #tpu.memory_space<hbm>>) target_semaphore(%arg20 : memref<!tpu.dma_semaphore, #tpu.memory_space<semaphore_mem>>)
    %dma_wait3A_707 = arith.constant 0 : i32
    %dma_wait3A_708 = arith.constant 0 : i32
    %dma_wait3A_709 = arith.constant 0 : i32
    %dma_wait3A_710 = tpu.memref_slice %arg8[%dma_wait3A_707, %dma_wait3A_708, %dma_wait3A_709] : memref<3x128x128xf32, #tpu.memory_space<vmem>> -> memref<1x128x128xf32, #tpu.memory_space<vmem>>
    %dma_wait3A_711 = tpu.memref_squeeze %dma_wait3A_710 : memref<1x128x128xf32, #tpu.memory_space<vmem>> -> memref<128x128xf32, #tpu.memory_space<vmem>>
    %dma_wait3A_712 = arith.constant 0 : i32
    %dma_wait3A_713 = tpu.memref_slice %arg5[%add3A_612, %dma_wait3A_712] : memref<32768x128xf32, #tpu.memory_space<hbm>> -> memref<128x128xf32, #tpu.memory_space<hbm>>
    %dma_wait3A_714 = arith.constant 0 : i32
    %dma_wait3A_715 = tpu.memref_slice %arg5[%add3A_612, %dma_wait3A_714] : memref<32768x128xf32, #tpu.memory_space<hbm>> -> memref<128x128xf32, #tpu.memory_space<hbm>>
    %dma_wait3A_716 = arith.constant 0 : i32
    %dma_wait3A_717 = arith.constant 0 : i32
    %dma_wait3A_718 = tpu.memref_slice %arg8[%dma_wait3A_707, %dma_wait3A_716, %dma_wait3A_717] : memref<3x128x128xf32, #tpu.memory_space<vmem>> -> memref<1x128x128xf32, #tpu.memory_space<vmem>>
    %dma_wait3A_719 = tpu.memref_squeeze %dma_wait3A_718 : memref<1x128x128xf32, #tpu.memory_space<vmem>> -> memref<128x128xf32, #tpu.memory_space<vmem>>
    tpu.wait_dma2 semaphore(%arg16 : memref<!tpu.dma_semaphore, #tpu.memory_space<semaphore_mem>>) src(%dma_wait3A_719 : memref<128x128xf32, #tpu.memory_space<vmem>>) dst(%dma_wait3A_715 : memref<128x128xf32, #tpu.memory_space<hbm>>)
    %dma_wait3A_720 = arith.constant 0 : i32
    %dma_wait3A_721 = arith.constant 0 : i32
    %dma_wait3A_722 = arith.constant 0 : i32
    %dma_wait3A_723 = tpu.memref_slice %arg9[%dma_wait3A_720, %dma_wait3A_721, %dma_wait3A_722] : memref<3x128x128xf32, #tpu.memory_space<vmem>> -> memref<1x128x128xf32, #tpu.memory_space<vmem>>
    %dma_wait3A_724 = tpu.memref_squeeze %dma_wait3A_723 : memref<1x128x128xf32, #tpu.memory_space<vmem>> -> memref<128x128xf32, #tpu.memory_space<vmem>>
    %dma_wait3A_725 = arith.constant 0 : i32
    %dma_wait3A_726 = tpu.memref_slice %arg6[%add3A_612, %dma_wait3A_725] : memref<32768x128xf32, #tpu.memory_space<hbm>> -> memref<128x128xf32, #tpu.memory_space<hbm>>
    %dma_wait3A_727 = arith.constant 0 : i32
    %dma_wait3A_728 = tpu.memref_slice %arg6[%add3A_612, %dma_wait3A_727] : memref<32768x128xf32, #tpu.memory_space<hbm>> -> memref<128x128xf32, #tpu.memory_space<hbm>>
    %dma_wait3A_729 = arith.constant 0 : i32
    %dma_wait3A_730 = arith.constant 0 : i32
    %dma_wait3A_731 = tpu.memref_slice %arg9[%dma_wait3A_720, %dma_wait3A_729, %dma_wait3A_730] : memref<3x128x128xf32, #tpu.memory_space<vmem>> -> memref<1x128x128xf32, #tpu.memory_space<vmem>>
    %dma_wait3A_732 = tpu.memref_squeeze %dma_wait3A_731 : memref<1x128x128xf32, #tpu.memory_space<vmem>> -> memref<128x128xf32, #tpu.memory_space<vmem>>
    tpu.wait_dma2 semaphore(%arg19 : memref<!tpu.dma_semaphore, #tpu.memory_space<semaphore_mem>>) src(%dma_wait3A_732 : memref<128x128xf32, #tpu.memory_space<vmem>>) dst(%dma_wait3A_728 : memref<128x128xf32, #tpu.memory_space<hbm>>)
    %dma_wait3A_733 = arith.constant 1 : i32
    %dma_wait3A_734 = arith.constant 0 : i32
    %dma_wait3A_735 = arith.constant 0 : i32
    %dma_wait3A_736 = tpu.memref_slice %arg8[%dma_wait3A_733, %dma_wait3A_734, %dma_wait3A_735] : memref<3x128x128xf32, #tpu.memory_space<vmem>> -> memref<1x128x128xf32, #tpu.memory_space<vmem>>
    %dma_wait3A_737 = tpu.memref_squeeze %dma_wait3A_736 : memref<1x128x128xf32, #tpu.memory_space<vmem>> -> memref<128x128xf32, #tpu.memory_space<vmem>>
    %dma_wait3A_738 = arith.constant 0 : i32
    %dma_wait3A_739 = tpu.memref_slice %arg5[%add3A_660, %dma_wait3A_738] : memref<32768x128xf32, #tpu.memory_space<hbm>> -> memref<128x128xf32, #tpu.memory_space<hbm>>
    %dma_wait3A_740 = arith.constant 0 : i32
    %dma_wait3A_741 = tpu.memref_slice %arg5[%add3A_660, %dma_wait3A_740] : memref<32768x128xf32, #tpu.memory_space<hbm>> -> memref<128x128xf32, #tpu.memory_space<hbm>>
    %dma_wait3A_742 = arith.constant 0 : i32
    %dma_wait3A_743 = arith.constant 0 : i32
    %dma_wait3A_744 = tpu.memref_slice %arg8[%dma_wait3A_733, %dma_wait3A_742, %dma_wait3A_743] : memref<3x128x128xf32, #tpu.memory_space<vmem>> -> memref<1x128x128xf32, #tpu.memory_space<vmem>>
    %dma_wait3A_745 = tpu.memref_squeeze %dma_wait3A_744 : memref<1x128x128xf32, #tpu.memory_space<vmem>> -> memref<128x128xf32, #tpu.memory_space<vmem>>
    tpu.wait_dma2 semaphore(%arg17 : memref<!tpu.dma_semaphore, #tpu.memory_space<semaphore_mem>>) src(%dma_wait3A_745 : memref<128x128xf32, #tpu.memory_space<vmem>>) dst(%dma_wait3A_741 : memref<128x128xf32, #tpu.memory_space<hbm>>)
    %dma_wait3A_746 = arith.constant 1 : i32
    %dma_wait3A_747 = arith.constant 0 : i32
    %dma_wait3A_748 = arith.constant 0 : i32
    %dma_wait3A_749 = tpu.memref_slice %arg9[%dma_wait3A_746, %dma_wait3A_747, %dma_wait3A_748] : memref<3x128x128xf32, #tpu.memory_space<vmem>> -> memref<1x128x128xf32, #tpu.memory_space<vmem>>
    %dma_wait3A_750 = tpu.memref_squeeze %dma_wait3A_749 : memref<1x128x128xf32, #tpu.memory_space<vmem>> -> memref<128x128xf32, #tpu.memory_space<vmem>>
    %dma_wait3A_751 = arith.constant 0 : i32
    %dma_wait3A_752 = tpu.memref_slice %arg6[%add3A_660, %dma_wait3A_751] : memref<32768x128xf32, #tpu.memory_space<hbm>> -> memref<128x128xf32, #tpu.memory_space<hbm>>
    %dma_wait3A_753 = arith.constant 0 : i32
    %dma_wait3A_754 = tpu.memref_slice %arg6[%add3A_660, %dma_wait3A_753] : memref<32768x128xf32, #tpu.memory_space<hbm>> -> memref<128x128xf32, #tpu.memory_space<hbm>>
    %dma_wait3A_755 = arith.constant 0 : i32
    %dma_wait3A_756 = arith.constant 0 : i32
    %dma_wait3A_757 = tpu.memref_slice %arg9[%dma_wait3A_746, %dma_wait3A_755, %dma_wait3A_756] : memref<3x128x128xf32, #tpu.memory_space<vmem>> -> memref<1x128x128xf32, #tpu.memory_space<vmem>>
    %dma_wait3A_758 = tpu.memref_squeeze %dma_wait3A_757 : memref<1x128x128xf32, #tpu.memory_space<vmem>> -> memref<128x128xf32, #tpu.memory_space<vmem>>
    tpu.wait_dma2 semaphore(%arg20 : memref<!tpu.dma_semaphore, #tpu.memory_space<semaphore_mem>>) src(%dma_wait3A_758 : memref<128x128xf32, #tpu.memory_space<vmem>>) dst(%dma_wait3A_754 : memref<128x128xf32, #tpu.memory_space<hbm>>)
    %dma_wait3A_759 = arith.constant 2 : i32
    %dma_wait3A_760 = arith.constant 0 : i32
    %dma_wait3A_761 = arith.constant 0 : i32
    %dma_wait3A_762 = tpu.memref_slice %arg8[%dma_wait3A_759, %dma_wait3A_760, %dma_wait3A_761] : memref<3x128x128xf32, #tpu.memory_space<vmem>> -> memref<1x128x128xf32, #tpu.memory_space<vmem>>
    %dma_wait3A_763 = tpu.memref_squeeze %dma_wait3A_762 : memref<1x128x128xf32, #tpu.memory_space<vmem>> -> memref<128x128xf32, #tpu.memory_space<vmem>>
    %dma_wait3A_764 = arith.constant 0 : i32
    %dma_wait3A_765 = tpu.memref_slice %arg5[%add3A_564, %dma_wait3A_764] : memref<32768x128xf32, #tpu.memory_space<hbm>> -> memref<128x128xf32, #tpu.memory_space<hbm>>
    %dma_wait3A_766 = arith.constant 0 : i32
    %dma_wait3A_767 = tpu.memref_slice %arg5[%add3A_564, %dma_wait3A_766] : memref<32768x128xf32, #tpu.memory_space<hbm>> -> memref<128x128xf32, #tpu.memory_space<hbm>>
    %dma_wait3A_768 = arith.constant 0 : i32
    %dma_wait3A_769 = arith.constant 0 : i32
    %dma_wait3A_770 = tpu.memref_slice %arg8[%dma_wait3A_759, %dma_wait3A_768, %dma_wait3A_769] : memref<3x128x128xf32, #tpu.memory_space<vmem>> -> memref<1x128x128xf32, #tpu.memory_space<vmem>>
    %dma_wait3A_771 = tpu.memref_squeeze %dma_wait3A_770 : memref<1x128x128xf32, #tpu.memory_space<vmem>> -> memref<128x128xf32, #tpu.memory_space<vmem>>
    tpu.wait_dma2 semaphore(%arg18 : memref<!tpu.dma_semaphore, #tpu.memory_space<semaphore_mem>>) src(%dma_wait3A_771 : memref<128x128xf32, #tpu.memory_space<vmem>>) dst(%dma_wait3A_767 : memref<128x128xf32, #tpu.memory_space<hbm>>)
    %dma_wait3A_772 = arith.constant 2 : i32
    %dma_wait3A_773 = arith.constant 0 : i32
    %dma_wait3A_774 = arith.constant 0 : i32
    %dma_wait3A_775 = tpu.memref_slice %arg9[%dma_wait3A_772, %dma_wait3A_773, %dma_wait3A_774] : memref<3x128x128xf32, #tpu.memory_space<vmem>> -> memref<1x128x128xf32, #tpu.memory_space<vmem>>
    %dma_wait3A_776 = tpu.memref_squeeze %dma_wait3A_775 : memref<1x128x128xf32, #tpu.memory_space<vmem>> -> memref<128x128xf32, #tpu.memory_space<vmem>>
    %dma_wait3A_777 = arith.constant 0 : i32
    %dma_wait3A_778 = tpu.memref_slice %arg6[%add3A_564, %dma_wait3A_777] : memref<32768x128xf32, #tpu.memory_space<hbm>> -> memref<128x128xf32, #tpu.memory_space<hbm>>
    %dma_wait3A_779 = arith.constant 0 : i32
    %dma_wait3A_780 = tpu.memref_slice %arg6[%add3A_564, %dma_wait3A_779] : memref<32768x128xf32, #tpu.memory_space<hbm>> -> memref<128x128xf32, #tpu.memory_space<hbm>>
    %dma_wait3A_781 = arith.constant 0 : i32
    %dma_wait3A_782 = arith.constant 0 : i32
    %dma_wait3A_783 = tpu.memref_slice %arg9[%dma_wait3A_772, %dma_wait3A_781, %dma_wait3A_782] : memref<3x128x128xf32, #tpu.memory_space<vmem>> -> memref<1x128x128xf32, #tpu.memory_space<vmem>>
    %dma_wait3A_784 = tpu.memref_squeeze %dma_wait3A_783 : memref<1x128x128xf32, #tpu.memory_space<vmem>> -> memref<128x128xf32, #tpu.memory_space<vmem>>
    tpu.wait_dma2 semaphore(%arg21 : memref<!tpu.dma_semaphore, #tpu.memory_space<semaphore_mem>>) src(%dma_wait3A_784 : memref<128x128xf32, #tpu.memory_space<vmem>>) dst(%dma_wait3A_780 : memref<128x128xf32, #tpu.memory_space<hbm>>)
    return
  }
}

</mosaic_0001>

<sc_bundles>
// kernel: kernel.3.cloned.1.call-start
scs
__scs_entry_jumppad:
0x0: {  	(pc) =	sbr.rel $0x88, $3  }
0x1: {  	(tag) =	ssettag $0x0;
	lr =	simm.s32 $0x1  }
0x2: {  	[smem:$0x3F9E] =	sst lr;
	_ =	strace $0xD0000000  }
0x3: {  	_ = 	snop  }
0x4: {  	_ = 	snop  }
0x5: {  	_ = 	snop  }
0x6: {  	_ = 	snop  }
0x7: {  	_ = 	snop  }
__scs_overlays_trampoline_lowered:
0x8: {  	[smem:$0x3FAD] =	sst s0  }
0x9: {  	[smem:$0x3FAE] =	sst s1  }
0xa: {  	[smem:$0x3FAF] =	sst s2  }
0xb: {  	[smem:$0x3FB0] =	sst s3  }
0xc: {  	[smem:$0x3FB1] =	sst s4  }
0xd: {  	[smem:$0x3FB2] =	sst s5  }
0xe: {  	[smem:$0x3FB3] =	sst s6  }
0xf: {  	[smem:$0x3FB4] =	sst s7  }
0x10: {  	[smem:$0x3FB5] =	sst s8  }
0x11: {  	[smem:$0x3FB6] =	sst s9;
	s0 =	simm.s32 @!p0 $0x0  }
0x12: {  	s1 =	sld [smem:$0x3F9C];
	s0 =	simm.s32 @p0 $0x1  }
0x13: {  	[smem:$0x3FB7] =	sst s0;
	s0 =	simm.s32 @!p1 $0x0  }
0x14: {  	s2 =	sld [smem:$0x3F9B];
	s0 =	simm.s32 @p1 $0x1  }
0x15: {  	[smem:$0x3FB8] =	sst s0;
	s0 =	simm.s32 @!p2 $0x0  }
0x16: {  	s3 =	sld [smem:$0x3FDB];
	s0 =	simm.s32 @p2 $0x1  }
0x17: {  	s4 =	simm.s32 $0x1BF5;
	[smem:$0x3FBA] =	sst s0  }
0x18: {  	s0 =	sld [smem:$0x3F9D];
	_ =	swait.ge [sflag:s4], $0x0  }
0x19: {  	s7 =	sld [smem:$0x3F9E]  }
0x1a: {  	s8 =	sadd.s32 $0xFFFFE003, lr  }
0x1b: {  	s9 =	sadd.s32 $0xFFFFFEF7, lr;
	s5 =	simm.s32 $0xFFFFFFFF;
	p2 =	slt.u32 s8, $0xFFFFF086  }
0x1c: {  	p1 =	slt.u32 s9, $0xF7A;
	s5 =	simm.s32 @!p2 $0x0  }
0x1d: {  	s5 =	simm.s32 @p1 $0x1;
	p0 =	seq.s32 s7, s2  }
0x1e: {  	s7 =	smul.u32 @!p0 $0xF7A, s2;
	p2 =	seq.s32 @!p0 s5, $0x0  }
0x1f: {  	s9 =	smul.u32 $0xF7A, s1;
	s8 =	simm.s32 @!p0 $0x1BF5;
	p2 =	por !p2, p0  }
0x20: {  	[sflag:s8] =	ssyncset.s32 @!p0 $0xFFFFF086;
	s6 =	sadd.s32 @!p0 s3, s7;
	s7 =	simm.s32 @!p0 $0x108  }
0x21: {  	s3 =	sadd.s32 s3, s9;
	s6 =	sadd.s32 @!p0 $0x88, s6;
	s7 =	simm.s32 @p2 $0x1082  }
0x22: {  	[simem:s7], [sflag:s8] =	dma.local @!p0 [hbm:s6], $0xF7A  }
0x23: {  	s9 =	sor.u32 $0xD0000000, s2;
	s6 =	simm.s32 $0x108;
	_ =	swait.ge @!p0 [sflag:s8], $0x0  }
0x24: {  	s3 =	sadd.s32 $0x88, s3;
	s6 =	simm.s32 @!p1 $0x1082;
	[sflag:s4] =	ssyncset.s32 $0xFFFFF086  }
0x25: {  	[simem:s6], [sflag:s4] =	dma.local [hbm:s3], $0xF7A  }
0x26: {  	[smem:$0x3F9E] =	sst s1;
	(tag) =	ssettag s2;
	_ =	strace s9  }
0x27: {  	s1 =	sld [smem:$0x3FAE]  }
0x28: {  	s2 =	sld [smem:$0x3FAF]  }
0x29: {  	s4 =	sld [smem:$0x3FB1]  }
0x2a: {  	p0 =	seq.s32 s5, $0x0;
	s5 =	sld [smem:$0x3FB2]  }
0x2b: {  	s6 =	sld [smem:$0x3FB3]  }
0x2c: {  	s7 =	sld [smem:$0x3FB4]  }
0x2d: {  	s3 =	simm.s32 $0x108;
	s8 =	sld [smem:$0x3FB5]  }
0x2e: {  	s3 =	simm.s32 @!p0 $0x1082;
	s9 =	sld [smem:$0x3FB6]  }
0x2f: {  	lr =	sadd.s32 s0, s3;
	s0 =	sld [smem:$0x3FAD]  }
0x30: {  	s3 =	sld [smem:$0x3FB0]  }
0x31: {  	[smem:$0x3FB9] =	sst s10  }
0x32: {  	s10 =	sld [smem:$0x3FB7];
	_ =	sdelay $0x3  }
0x33: {  	p0 =	seq.s32 s10, $0x1;
	s10 =	sld [smem:$0x3FB9];
	_ =	sdelay $0x3  }
0x34: {  	[smem:$0x3FB9] =	sst s10  }
0x35: {  	s10 =	sld [smem:$0x3FB8];
	_ =	sdelay $0x3  }
0x36: {  	p1 =	seq.s32 s10, $0x1;
	s10 =	sld [smem:$0x3FB9];
	_ =	sdelay $0x3  }
0x37: {  	[smem:$0x3FB9] =	sst s10  }
0x38: {  	s10 =	sld [smem:$0x3FBA]  }
0x39: {  	_ = 	snop;
	(pc) =	sbr.ind lr, $3  }
0x3a: {  	_ = 	snop  }
0x3b: {  	_ = 	snop  }
0x3c: {  	p2 =	seq.s32 s10, $0x1;
	s10 =	sld [smem:$0x3FB9]  }
0x3d: {  	_ =	shalt  }
0x3e: {  	_ =	shalt  }
0x3f: {  	_ =	shalt  }
0x40: {  	_ =	shalt  }
0x41: {  	_ =	shalt  }
0x42: {  	_ =	shalt  }
0x43: {  	_ =	shalt  }
0x44: {  	_ =	shalt  }
0x45: {  	_ =	shalt  }
0x46: {  	_ =	shalt  }
0x47: {  	_ =	shalt  }
0x48: {  	_ =	shalt  }
0x49: {  	_ =	shalt  }
0x4a: {  	_ =	shalt  }
0x4b: {  	_ =	shalt  }
0x4c: {  	_ =	shalt  }
0x4d: {  	_ =	shalt  }
0x4e: {  	_ =	shalt  }
0x4f: {  	_ =	shalt  }
0x50: {  	_ =	shalt  }
0x51: {  	_ =	shalt  }
0x52: {  	_ =	shalt  }
0x53: {  	_ =	shalt  }
0x54: {  	_ =	shalt  }
0x55: {  	_ =	shalt  }
0x56: {  	_ =	shalt  }
0x57: {  	_ =	shalt  }
0x58: {  	_ =	shalt  }
0x59: {  	_ =	shalt  }
0x5a: {  	_ =	shalt  }
0x5b: {  	_ =	shalt  }
0x5c: {  	_ =	shalt  }
0x5d: {  	_ =	shalt  }
0x5e: {  	_ =	shalt  }
0x5f: {  	_ =	shalt  }
0x60: {  	_ =	shalt  }
0x61: {  	_ =	shalt  }
0x62: {  	_ =	shalt  }
0x63: {  	_ =	shalt  }
0x64: {  	_ =	shalt  }
0x65: {  	_ =	shalt  }
0x66: {  	_ =	shalt  }
0x67: {  	_ =	shalt  }
0x68: {  	_ =	shalt  }
0x69: {  	_ =	shalt  }
0x6a: {  	_ =	shalt  }
0x6b: {  	_ =	shalt  }
0x6c: {  	_ =	shalt  }
0x6d: {  	_ =	shalt  }
0x6e: {  	_ =	shalt  }
0x6f: {  	_ =	shalt  }
0x70: {  	_ =	shalt  }
0x71: {  	_ =	shalt  }
0x72: {  	_ =	shalt  }
0x73: {  	_ =	shalt  }
0x74: {  	_ =	shalt  }
0x75: {  	_ =	shalt  }
0x76: {  	_ =	shalt  }
0x77: {  	_ =	shalt  }
0x78: {  	_ =	shalt  }
0x79: {  	_ =	shalt  }
0x7a: {  	_ =	shalt  }
0x7b: {  	_ =	shalt  }
0x7c: {  	_ =	shalt  }
0x7d: {  	_ =	shalt  }
0x7e: {  	_ =	shalt  }
0x7f: {  	_ =	shalt  }
0x80: {  	_ =	shalt  }
0x81: {  	_ =	shalt  }
0x82: {  	_ =	shalt  }
0x83: {  	_ =	shalt  }
0x84: {  	_ =	shalt  }
0x85: {  	_ =	shalt  }
0x86: {  	_ =	shalt  }
0x87: {  	_ =	shalt  }
.Lfunc_end0:
.L_simem_size_0:
called_computation_lowered:
.L_overlay_start_0:
0x88: {  	s2 =	sld [smem:$0x3FD9]  }
0x89: {  	s3 =	sld [smem:$0x3FFE];
	_ =	sdelay $0x1  }
0x8a: {  	s1 =	srdreg.scid  }
0x8b: {  	s0 =	sand.u32 $0x1, s1  }
0x8c: {  	s15 =	sshll.u32 s0, $0xA;
	s2 =	sadd.s32 s3, s2  }
0x8d: {  	s2 =	sadd.s32 s2, s15  }
0x8e: {  	[smem:$0x3FC5] =	sst s2  }
0x8f: {  	_ = 	snop  }
0x90: {  	s2 =	sld [smem:$0x3FD0]  }
0x91: {  	s16 =	sld [smem:$0x3FC9]  }
0x92: {  	s4 =	sld [smem:$0x3FC8]  }
0x93: {  	s6 =	simm.s32 $0xA;
	s7 =	simm.s32 $0x10;
	s5 =	sld [smem:$0x3FC7]  }
0x94: {  	[smem:s7], [sflag:s6] =	dma.local [hbm:s2], $0x1  }
0x95: {  	_ =	swait.eq [sflag:s6], $0x1  }
0x96: {  	[sflag:s6] =	ssyncset.done $0x0  }
0x97: {  	s17 =	sld [smem:$0x10];
	[sflag:s6] =	ssyncadd.s32 $0xFFFFFFFF  }
0x98: {  	s18 =	sld [smem:$0x11];
	(tm) =	ssettm $0x1  }
0x99: {  	s19 =	sld [smem:$0x3FFB];
	_ =	sdelay $0x3  }
0x9a: {  	_ =	strace s19  }
0x9b: {  	s7 =	sld [smem:$0x3FFC];
	_ =	sdelay $0x3  }
0x9c: {  	_ =	strace s7  }
0x9d: {  	s7 =	sld [smem:$0x3FFD];
	_ =	sdelay $0x3  }
0x9e: {  	_ =	strace s7  }
0x9f: {  	_ =	strace $0x8FFFFFFF  }
0xa0: {  	s20 =	sld [smem:$0x3FDB];
	_ =	sdelay $0x1  }
0xa1: {  	s8 =	simm.s32 $_scs_section_size  }
0xa2: {  	s9 =	simm.s32 $_size__tile_overlayer_lowered;
	s10 =	simm.s32 $_tile_overlayer_lowered  }
0xa3: {  	s23 =	simm.s32 $0x1BFF;
	s22 =	sshll.u32 s10, $0x1;
	s7 =	sadd.s32 s8, s20  }
0xa4: {  	s11 =	simm.s32 $0x0;
	s21 =	sshll.u32 s9, $0x1;
	s9 =	sadd.s32 s22, s7  }
0xa5: {  	[timem:s11], [sflag:s23] =	dma.local [hbm:s9], s21  }
0xa6: {  	_ =	swait.ge [sflag:s23], s21  }
0xa7: {  	s8 =	ssub.s32 $0x0, s21;
	[sflag:s23] =	ssyncset.done $0x0  }
0xa8: {  	[sflag:s23] =	ssyncadd.s32 s8;
	_ =	sdelay $0x1  }
0xa9: {  	s24 =	simm.s32 $0x1B8B  }
0xaa: {  	_ =	swait.ge [sflag:s24], $0x1  }
0xab: {  	[sflag:s24] =	ssyncset.done $0x0  }
0xac: {  	s25 =	simm.s32 $0x1B8E;
	[sflag:s24] =	ssyncadd.s32 $0xFFFFFFFF  }
0xad: {  	s26 =	simm.s32 $execute0_lowered;
	[smem:$0x3FD2] =	sst s25  }
0xae: {  	s8 =	sshll.u32 s26, $0x1;
	_ =	strace $0x80000046;
	[dreg:$0x1] =	wrdreg $0xFFFFFFFF  }
0xaf: {  	s28 =	simm.s32 $_size_execute0_lowered;
	s7 =	sadd.s32 s7, s8;
	[dreg:$0x0] =	wrdreg $0x0  }
0xb0: {  	s8 =	sshll.u32 s28, $0x1;
	[dreg:$0x2] =	wrdreg s7  }
0xb1: {  	[dreg:$0x3] =	wrdreg s8  }
0xb2: {  	[dreg:$0x4] =	wrdreg $0xC0  }
0xb3: {  	_ =	task [dreg:s11], $0x5FFFF  }
0xb4: {  	[dreg:$0x1] =	wrdreg $0xFFFFFFFF  }
0xb5: {  	[dreg:$0x0] =	wrdreg $0x60  }
0xb6: {  	[dreg:$0x2] =	wrdreg s16  }
0xb7: {  	[dreg:$0x3] =	wrdreg s4  }
0xb8: {  	[dreg:$0x4] =	wrdreg s5  }
0xb9: {  	[dreg:$0x5] =	wrdreg s17  }
0xba: {  	[dreg:$0x6] =	wrdreg s18  }
0xbb: {  	[dreg:$0x7] =	wrdreg $0x9  }
0xbc: {  	_ =	task.clear_ibuf [dreg:s11], $0x8FFFF;
	_ =	strace $0x90000046  }
0xbd: {  	s29 =	simm.s32 $0x9;
	_ =	strace $0x80000048  }
0xbe: {  	_ =	swait.ge [sflag:s29], $0x1  }
0xbf: {  	[sflag:s29] =	ssyncadd.s32 $0xFFFFFFFF  }
0xc0: {  	_ =	strace $0x90000048  }
0xc1: {  	_ =	sfence  }
0xc2: {  	s30 =	sld [smem:$0x0];
	_ =	sdelay $0x2  }
0xc3: {  	s31 =	sshll.u32 s1, $0xD;
	s1 =	sshrl.u32 s1, $0x2  }
0xc4: {  	s3 =	sand.u32 $0x4000, s31;
	s1 =	sadd.s32 s1, s30  }
0xc5: {  	s0 =	sor.u32 s3, s0;
	s1 =	sshll.u32 s1, $0x11  }
0xc6: {  	s0 =	sor.u32 s1, s0  }
0xc7: {  	s0 =	sadd.s32 $0x8F2B, s0  }
0xc8: {  	[sflag:s0] =	ssyncadd.remote.s32 $0x1  }
0xc9: {  	_ =	sfence.sel $0xFFFF  }
0xca: {  	[dreg:$0x0] =	wrdreg $0xFFFFFFFF;
	(pc) =	sbr.abs _section_cstart, $3  }
0xcb: {  	[dreg:$0x1] =	wrdreg $0xFFFFFFFF  }
0xcc: {  	_ =	task.clear_ibuf [dreg:s11], $0x2FFFF;
	_ =	strace $0x9FFFFFFF  }
0xcd: {  	(tm) =	ssettm $0x7FFFFFFF  }
tec
execute0_lowered:
.L_overlay_start_1:
0x0: {  	(tag) =	ssettag $0x1  }
0x1: {  	s0 =	rddreg [dreg:$0x0]  }
0x2: {  	s3 =	rddreg [dreg:$0x1]  }
0x3: {  	s4 =	rddreg [dreg:$0x2]  }
0x4: {  	s1 =	rddreg [dreg:$0x3];
	s2 =	srdreg.scid  }
0x5: {  	s8 =	stileid.u32;
	s5 =	rddreg [dreg:$0x4];
	s31 =	simm.s32 $0xD  }
0x6: {  	s30 =	simm.s32 $0x100;
	s29 =	simm.s32 $0x180;
	p0 =	por $0x0, $0x0  }
0x7: {  	s28 =	simm.s32 $0x280;
	s6 =	sand.u32 $0x1, s2;
	s19 =	sshll.u32 s8, $0x1  }
0x8: {  	s8 =	sshll.u32 s8, $0x2;
	s2 =	simm.s32 $0x0;
	s7 =	sor.u32 s6, s19  }
0x9: {  	s8 =	sand.u32 $0x30, s8;
	[smem:$0x7FF] =	sst s2;
	s6 =	ssub.s32 $0x2, s6  }
0xa: {  	s9 =	sshll.u32 s7, $0x9;
	s0 =	sadd.s32 s0, s8;
	s7 =	sshll.u32 s7, $0xE  }
0xb: {  	_ =	strace $0x80000047;
	s9 =	sand.u32 $0xE00, s9;
	s20 =	sadd.s32 s1, s7  }
0xc: {  	s21 =	sadd.s32 s5, s7;
	s22 =	sor.u32 $0x800, s7;
	[dreg:$0x7] =	wrdreg s20  }
0xd: {  	s25 =	sor.u32 $0x1000, s7;
	s0 =	sadd.s32 s9, s0;
	[dreg:$0x8] =	wrdreg s21  }
0xe: {  	s12 =	sor.u32 $0x2000, s7;
	s23 =	sadd.s32 s1, s22;
	[dreg:$0x6] =	wrdreg s0  }
0xf: {  	s15 =	sor.u32 $0x2800, s7;
	s24 =	sadd.s32 s5, s22;
	[dreg:$0x9] =	wrdreg s23  }
0x10: {  	s18 =	sor.u32 $0x3000, s7;
	s26 =	sadd.s32 s1, s25;
	[dreg:$0xa] =	wrdreg s24  }
0x11: {  	s8 =	sadd.s32 s5, s25;
	s9 =	sor.u32 $0x1800, s7;
	[dreg:$0xb] =	wrdreg s26  }
0x12: {  	s13 =	sadd.s32 s1, s12;
	s14 =	sadd.s32 s5, s12;
	[dreg:$0xc] =	wrdreg s8  }
0x13: {  	s16 =	sadd.s32 s1, s15;
	s17 =	sadd.s32 s5, s15;
	[dreg:$0xf] =	wrdreg s13  }
0x14: {  	s19 =	sadd.s32 s1, s18;
	s20 =	sadd.s32 s5, s18;
	[dreg:$0x10] =	wrdreg s14  }
0x15: {  	s7 =	sor.u32 $0x3800, s7;
	s21 =	sshrl.u32 s6, $0x1;
	[dreg:$0x11] =	wrdreg s16  }
0x16: {  	s15 =	simm.s32 $0x400;
	s12 =	simm.s32 $0x4400;
	[dreg:$0x12] =	wrdreg s17  }
0x17: {  	s18 =	simm.s32 $0x1;
	s10 =	sadd.s32 s1, s9;
	[dreg:$0x13] =	wrdreg s19  }
0x18: {  	s11 =	sadd.s32 s5, s9;
	[dreg:$0x14] =	wrdreg s20;
	s22 =	sadd.s32 s1, s7  }
0x19: {  	s23 =	ssub.s32 s6, s21;
	s24 =	sadd.s32 s5, s7;
	s20 =	simm.s32 $0x80  }
0x1a: {  	s26 =	simm.s32 $0x200;
	s13 =	simm.s32 $0xC400;
	s5 =	simm.s32 $0x10400  }
0x1b: {  	s21 =	simm.s32 $0x8400;
	s19 =	simm.s32 $0x14400;
	s17 =	simm.s32 $0x4  }
0x1c: {  	s7 =	simm.s32 $0xA;
	s16 =	simm.s32 $0x2;
	s25 =	smax.u32 s23, $0x1  }
0x1d: {  	s14 =	simm.s32 $0x5;
	[dreg:$0xd] =	wrdreg s10;
	p1 =	sne.s32 s25, $0x1  }
.Ltmp0:
0x1e: {  	s9 =	simm.s32 $0x8;
	[dreg:$0xe] =	wrdreg s11;
	(pc) =	sbr.rel @!p1 .LBB2_3-.Ltmp0, $4  }
0x1f: {  	s6 =	simm.s32 $0xB;
	s8 =	simm.s32 $0xC;
	[dreg:$0x15] =	wrdreg s22  }
0x20: {  	[dreg:$0x16] =	wrdreg s24;
	s10 =	simm.s32 $0x7;
	s23 =	simm.s32 $0x3  }
0x21: {  	s22 =	simm.s32 $0x6;
	s11 =	simm.s32 $0x9;
	s24 =	simm.s32 $0x380  }
0x22: {  	s0 =	rddreg [dreg:$0x6];
	s1 =	sadd.s32 $0xFFFFFFFF, s25;
	s25 =	simm.s32 $0x300  }
0x23: {  	[tilespmem:s2], [sflag:$0xD] =	stream.strided.gather [hbm4b:s0+s20], $0x400, s26, s20, $0x38;
	[tilespmem:$0x18400] =	vst v63  }
0x24: {  	_ =	swait.ge [sflag:s31], $0x400  }
0x25: {  	[sflag:s31] =	ssyncset.done $0x0  }
0x26: {  	[sflag:s31] =	ssyncadd.s32 $0xFFFFFC00  }
0x27: {  	[tilespmem:s15], [sflag:$0x1] =	stream.indirect.gather [hbm4b:s3+s20], $0x80, s2, s20, $0xb8;
	[tilespmem:$0x18400] =	vst v63  }
0x28: {  	_ = 	snop  }
0x29: {  	[tilespmem:s13], [sflag:$0x4] =	stream.indirect.gather [hbm4b:s4+s20], $0x80, s2, s20, $0xb8;
	[tilespmem:$0x18400] =	vst v63  }
0x2a: {  	_ = 	snop  }
0x2b: {  	[tilespmem:s12], [sflag:$0x2] =	stream.indirect.gather [hbm4b:s3+s20], $0x80, s20, s20, $0xb8;
	[tilespmem:$0x18400] =	vst v63  }
0x2c: {  	_ = 	snop  }
0x2d: {  	[tilespmem:s5], [sflag:$0x5] =	stream.indirect.gather [hbm4b:s4+s20], $0x80, s20, s20, $0xb8;
	[tilespmem:$0x18400] =	vst v63  }
0x2e: {  	_ = 	snop  }
0x2f: {  	[tilespmem:s21], [sflag:$0x3] =	stream.indirect.gather [hbm4b:s3+s20], $0x80, s30, s20, $0xb8;
	[tilespmem:$0x18400] =	vst v63  }
0x30: {  	_ = 	snop  }
0x31: {  	[tilespmem:s19], [sflag:$0x6] =	stream.indirect.gather [hbm4b:s4+s20], $0x80, s30, s20, $0xb8;
	[tilespmem:$0x18400] =	vst v63  }
0x32: {  	_ =	swait.ge [sflag:s18], $0x4000  }
0x33: {  	[sflag:s18] =	ssyncset.done $0x0  }
0x34: {  	s0 =	rddreg [dreg:$0x7];
	[sflag:s18] =	ssyncadd.s32 $0xFFFFC000  }
0x35: {  	[hbm4b:s0+s2] =	stream.linear.scatter [tilespmem:s15], [sflag:$0x7], $0x4000, $0x38;
	[tilespmem:$0x18400] =	vst v63  }
0x36: {  	_ =	swait.ge [sflag:s17], $0x4000  }
0x37: {  	[sflag:s17] =	ssyncset.done $0x0  }
0x38: {  	s0 =	rddreg [dreg:$0x8];
	[sflag:s17] =	ssyncadd.s32 $0xFFFFC000  }
0x39: {  	[hbm4b:s0+s2] =	stream.linear.scatter [tilespmem:s13], [sflag:$0xA], $0x4000, $0x38;
	[tilespmem:$0x18400] =	vst v63  }
0x3a: {  	_ =	swait.ge [sflag:s10], $0x4000  }
0x3b: {  	[sflag:s10] =	ssyncset.done $0x0  }
0x3c: {  	[sflag:s10] =	ssyncadd.s32 $0xFFFFC000  }
0x3d: {  	_ =	swait.ge [sflag:s7], $0x4000  }
0x3e: {  	[sflag:s7] =	ssyncset.done $0x0  }
0x3f: {  	[sflag:s7] =	ssyncadd.s32 $0xFFFFC000  }
0x40: {  	[tilespmem:s15], [sflag:$0x1] =	stream.indirect.gather [hbm4b:s3+s20], $0x80, s29, s20, $0xb8;
	[tilespmem:$0x18400] =	vst v63  }
0x41: {  	_ = 	snop  }
0x42: {  	[tilespmem:s13], [sflag:$0x4] =	stream.indirect.gather [hbm4b:s4+s20], $0x80, s29, s20, $0xb8;
	[tilespmem:$0x18400] =	vst v63  }
0x43: {  	_ =	swait.ge [sflag:s16], $0x4000  }
0x44: {  	[sflag:s16] =	ssyncset.done $0x0  }
0x45: {  	s0 =	rddreg [dreg:$0x9];
	[sflag:s16] =	ssyncadd.s32 $0xFFFFC000  }
0x46: {  	[hbm4b:s0+s2] =	stream.linear.scatter [tilespmem:s12], [sflag:$0x8], $0x4000, $0x38;
	[tilespmem:$0x18400] =	vst v63  }
0x47: {  	_ =	swait.ge [sflag:s14], $0x4000  }
0x48: {  	[sflag:s14] =	ssyncset.done $0x0  }
0x49: {  	s0 =	rddreg [dreg:$0xa];
	[sflag:s14] =	ssyncadd.s32 $0xFFFFC000  }
0x4a: {  	[hbm4b:s0+s2] =	stream.linear.scatter [tilespmem:s5], [sflag:$0xB], $0x4000, $0x38;
	[tilespmem:$0x18400] =	vst v63  }
0x4b: {  	_ =	swait.ge [sflag:s9], $0x4000  }
0x4c: {  	[sflag:s9] =	ssyncset.done $0x0  }
0x4d: {  	[sflag:s9] =	ssyncadd.s32 $0xFFFFC000  }
0x4e: {  	_ =	swait.ge [sflag:s6], $0x4000  }
0x4f: {  	[sflag:s6] =	ssyncset.done $0x0  }
0x50: {  	[sflag:s6] =	ssyncadd.s32 $0xFFFFC000  }
0x51: {  	[tilespmem:s12], [sflag:$0x2] =	stream.indirect.gather [hbm4b:s3+s20], $0x80, s26, s20, $0xb8;
	[tilespmem:$0x18400] =	vst v63  }
0x52: {  	_ = 	snop  }
0x53: {  	[tilespmem:s5], [sflag:$0x5] =	stream.indirect.gather [hbm4b:s4+s20], $0x80, s26, s20, $0xb8;
	[tilespmem:$0x18400] =	vst v63  }
0x54: {  	_ =	swait.ge [sflag:s23], $0x4000  }
0x55: {  	[sflag:s23] =	ssyncset.done $0x0  }
0x56: {  	s0 =	rddreg [dreg:$0xb];
	[sflag:s23] =	ssyncadd.s32 $0xFFFFC000  }
0x57: {  	[hbm4b:s0+s2] =	stream.linear.scatter [tilespmem:s21], [sflag:$0x9], $0x4000, $0x38;
	[tilespmem:$0x18400] =	vst v63  }
0x58: {  	_ =	swait.ge [sflag:s22], $0x4000  }
0x59: {  	[sflag:s22] =	ssyncset.done $0x0  }
0x5a: {  	s0 =	rddreg [dreg:$0xc];
	[sflag:s22] =	ssyncadd.s32 $0xFFFFC000  }
0x5b: {  	[hbm4b:s0+s2] =	stream.linear.scatter [tilespmem:s19], [sflag:$0xC], $0x4000, $0x38;
	[tilespmem:$0x18400] =	vst v63  }
0x5c: {  	_ =	swait.ge [sflag:s11], $0x4000  }
0x5d: {  	[sflag:s11] =	ssyncset.done $0x0  }
0x5e: {  	[sflag:s11] =	ssyncadd.s32 $0xFFFFC000  }
0x5f: {  	_ =	swait.ge [sflag:s8], $0x4000  }
0x60: {  	[sflag:s8] =	ssyncset.done $0x0  }
0x61: {  	[sflag:s8] =	ssyncadd.s32 $0xFFFFC000  }
0x62: {  	[tilespmem:s21], [sflag:$0x3] =	stream.indirect.gather [hbm4b:s3+s20], $0x80, s28, s20, $0xb8;
	[tilespmem:$0x18400] =	vst v63  }
0x63: {  	_ = 	snop  }
0x64: {  	[tilespmem:s19], [sflag:$0x6] =	stream.indirect.gather [hbm4b:s4+s20], $0x80, s28, s20, $0xb8;
	[tilespmem:$0x18400] =	vst v63  }
0x65: {  	_ =	swait.ge [sflag:s18], $0x4000  }
0x66: {  	[sflag:s18] =	ssyncset.done $0x0  }
0x67: {  	s0 =	rddreg [dreg:$0xd];
	[sflag:s18] =	ssyncadd.s32 $0xFFFFC000  }
0x68: {  	[hbm4b:s0+s2] =	stream.linear.scatter [tilespmem:s15], [sflag:$0x7], $0x4000, $0x38;
	[tilespmem:$0x18400] =	vst v63  }
0x69: {  	_ =	swait.ge [sflag:s17], $0x4000  }
0x6a: {  	[sflag:s17] =	ssyncset.done $0x0  }
0x6b: {  	s0 =	rddreg [dreg:$0xe];
	[sflag:s17] =	ssyncadd.s32 $0xFFFFC000  }
0x6c: {  	[hbm4b:s0+s2] =	stream.linear.scatter [tilespmem:s13], [sflag:$0xA], $0x4000, $0x38;
	[tilespmem:$0x18400] =	vst v63  }
0x6d: {  	_ =	swait.ge [sflag:s10], $0x4000  }
0x6e: {  	[sflag:s10] =	ssyncset.done $0x0  }
0x6f: {  	[sflag:s10] =	ssyncadd.s32 $0xFFFFC000  }
0x70: {  	_ =	swait.ge [sflag:s7], $0x4000  }
0x71: {  	[sflag:s7] =	ssyncset.done $0x0  }
0x72: {  	[sflag:s7] =	ssyncadd.s32 $0xFFFFC000  }
0x73: {  	[tilespmem:s15], [sflag:$0x1] =	stream.indirect.gather [hbm4b:s3+s20], $0x80, s25, s20, $0xb8;
	[tilespmem:$0x18400] =	vst v63  }
0x74: {  	_ = 	snop  }
0x75: {  	[tilespmem:s13], [sflag:$0x4] =	stream.indirect.gather [hbm4b:s4+s20], $0x80, s25, s20, $0xb8;
	[tilespmem:$0x18400] =	vst v63  }
0x76: {  	_ =	swait.ge [sflag:s16], $0x4000  }
0x77: {  	[sflag:s16] =	ssyncset.done $0x0  }
0x78: {  	s0 =	rddreg [dreg:$0xf];
	[sflag:s16] =	ssyncadd.s32 $0xFFFFC000  }
0x79: {  	[hbm4b:s0+s2] =	stream.linear.scatter [tilespmem:s12], [sflag:$0x8], $0x4000, $0x38;
	[tilespmem:$0x18400] =	vst v63  }
0x7a: {  	_ =	swait.ge [sflag:s14], $0x4000  }
0x7b: {  	[sflag:s14] =	ssyncset.done $0x0  }
0x7c: {  	s0 =	rddreg [dreg:$0x10];
	[sflag:s14] =	ssyncadd.s32 $0xFFFFC000  }
0x7d: {  	[hbm4b:s0+s2] =	stream.linear.scatter [tilespmem:s5], [sflag:$0xB], $0x4000, $0x38;
	[tilespmem:$0x18400] =	vst v63  }
0x7e: {  	_ =	swait.ge [sflag:s9], $0x4000  }
0x7f: {  	[sflag:s9] =	ssyncset.done $0x0  }
0x80: {  	[sflag:s9] =	ssyncadd.s32 $0xFFFFC000  }
0x81: {  	_ =	swait.ge [sflag:s6], $0x4000  }
0x82: {  	[sflag:s6] =	ssyncset.done $0x0  }
0x83: {  	[sflag:s6] =	ssyncadd.s32 $0xFFFFC000  }
0x84: {  	[tilespmem:s12], [sflag:$0x2] =	stream.indirect.gather [hbm4b:s3+s20], $0x80, s24, s20, $0xb8;
	[tilespmem:$0x18400] =	vst v63  }
0x85: {  	_ = 	snop  }
0x86: {  	[tilespmem:s5], [sflag:$0x5] =	stream.indirect.gather [hbm4b:s4+s20], $0x80, s24, s20, $0xb8;
	[tilespmem:$0x18400] =	vst v63  }
0x87: {  	_ =	swait.ge [sflag:s23], $0x4000  }
0x88: {  	[sflag:s23] =	ssyncset.done $0x0  }
0x89: {  	s0 =	rddreg [dreg:$0x11];
	[sflag:s23] =	ssyncadd.s32 $0xFFFFC000  }
0x8a: {  	[hbm4b:s0+s2] =	stream.linear.scatter [tilespmem:s21], [sflag:$0x9], $0x4000, $0x38;
	[tilespmem:$0x18400] =	vst v63  }
0x8b: {  	_ =	swait.ge [sflag:s22], $0x4000  }
0x8c: {  	[sflag:s22] =	ssyncset.done $0x0  }
0x8d: {  	s0 =	rddreg [dreg:$0x12];
	[sflag:s22] =	ssyncadd.s32 $0xFFFFC000  }
0x8e: {  	[hbm4b:s0+s2] =	stream.linear.scatter [tilespmem:s19], [sflag:$0xC], $0x4000, $0x38;
	[tilespmem:$0x18400] =	vst v63  }
0x8f: {  	_ =	swait.ge [sflag:s18], $0x4000  }
0x90: {  	[sflag:s18] =	ssyncset.done $0x0  }
0x91: {  	s0 =	rddreg [dreg:$0x13];
	[sflag:s18] =	ssyncadd.s32 $0xFFFFC000  }
0x92: {  	[hbm4b:s0+s2] =	stream.linear.scatter [tilespmem:s15], [sflag:$0x7], $0x4000, $0x38;
	[tilespmem:$0x18400] =	vst v63  }
0x93: {  	_ =	swait.ge [sflag:s17], $0x4000  }
0x94: {  	[sflag:s17] =	ssyncset.done $0x0  }
0x95: {  	s0 =	rddreg [dreg:$0x14];
	[sflag:s17] =	ssyncadd.s32 $0xFFFFC000  }
0x96: {  	[hbm4b:s0+s2] =	stream.linear.scatter [tilespmem:s13], [sflag:$0xA], $0x4000, $0x38;
	[tilespmem:$0x18400] =	vst v63  }
0x97: {  	_ =	swait.ge [sflag:s16], $0x4000  }
0x98: {  	[sflag:s16] =	ssyncset.done $0x0  }
0x99: {  	s0 =	rddreg [dreg:$0x15];
	[sflag:s16] =	ssyncadd.s32 $0xFFFFC000  }
0x9a: {  	[hbm4b:s0+s2] =	stream.linear.scatter [tilespmem:s12], [sflag:$0x8], $0x4000, $0x38;
	[tilespmem:$0x18400] =	vst v63  }
0x9b: {  	_ =	swait.ge [sflag:s14], $0x4000  }
0x9c: {  	[sflag:s14] =	ssyncset.done $0x0  }
0x9d: {  	s0 =	rddreg [dreg:$0x16];
	[sflag:s14] =	ssyncadd.s32 $0xFFFFC000  }
0x9e: {  	[hbm4b:s0+s2] =	stream.linear.scatter [tilespmem:s5], [sflag:$0xB], $0x4000, $0x38;
	[tilespmem:$0x18400] =	vst v63  }
0x9f: {  	_ =	swait.ge [sflag:s10], $0x4000  }
0xa0: {  	[sflag:s10] =	ssyncset.done $0x0  }
0xa1: {  	[sflag:s10] =	ssyncadd.s32 $0xFFFFC000  }
0xa2: {  	_ =	swait.ge [sflag:s7], $0x4000  }
0xa3: {  	[sflag:s7] =	ssyncset.done $0x0  }
0xa4: {  	[sflag:s7] =	ssyncadd.s32 $0xFFFFC000  }
0xa5: {  	_ =	swait.ge [sflag:s9], $0x4000  }
0xa6: {  	[sflag:s9] =	ssyncset.done $0x0  }
0xa7: {  	[sflag:s9] =	ssyncadd.s32 $0xFFFFC000  }
0xa8: {  	_ =	swait.ge [sflag:s6], $0x4000  }
0xa9: {  	[sflag:s6] =	ssyncset.done $0x0  }
0xaa: {  	p1 =	sne.s32 s1, $0x1;
	[sflag:s6] =	ssyncadd.s32 $0xFFFFC000  }
.Ltmp1:
0xab: {  	_ =	swait.ge [sflag:s11], $0x4000;
	(pc) =	sbr.rel @!p1 .LBB2_3-.Ltmp1, $4  }
0xac: {  	[sflag:s11] =	ssyncset.done $0x0  }
0xad: {  	[sflag:s11] =	ssyncadd.s32 $0xFFFFC000  }
0xae: {  	s1 =	sadd.s32 $0xFFFFFFFF, s1;
	_ =	swait.ge [sflag:s8], $0x4000  }
0xaf: {  	p0 =	por $0x1, $0x1;
	s0 =	rddreg [dreg:$0x6];
	[sflag:s8] =	ssyncset.done $0x0  }
.LBB2_2:
0xb0: {  	[sflag:s8] =	ssyncadd.s32 $0xFFFFC000  }
0xb1: {  	[tilespmem:s2], [sflag:$0xD] =	stream.strided.gather [hbm4b:s0+s20], $0x400, s26, s20, $0x38;
	[tilespmem:$0x18400] =	vst v63  }
0xb2: {  	_ =	swait.ge [sflag:s31], $0x400  }
0xb3: {  	[sflag:s31] =	ssyncset.done $0x0  }
0xb4: {  	[sflag:s31] =	ssyncadd.s32 $0xFFFFFC00  }
0xb5: {  	[tilespmem:s15], [sflag:$0x1] =	stream.indirect.gather [hbm4b:s3+s20], $0x80, s2, s20, $0xb8;
	[tilespmem:$0x18400] =	vst v63  }
0xb6: {  	_ = 	snop  }
0xb7: {  	[tilespmem:s13], [sflag:$0x4] =	stream.indirect.gather [hbm4b:s4+s20], $0x80, s2, s20, $0xb8;
	[tilespmem:$0x18400] =	vst v63  }
0xb8: {  	_ = 	snop  }
0xb9: {  	[tilespmem:s12], [sflag:$0x2] =	stream.indirect.gather [hbm4b:s3+s20], $0x80, s20, s20, $0xb8;
	[tilespmem:$0x18400] =	vst v63  }
0xba: {  	_ = 	snop  }
0xbb: {  	[tilespmem:s5], [sflag:$0x5] =	stream.indirect.gather [hbm4b:s4+s20], $0x80, s20, s20, $0xb8;
	[tilespmem:$0x18400] =	vst v63  }
0xbc: {  	_ = 	snop  }
0xbd: {  	[tilespmem:s21], [sflag:$0x3] =	stream.indirect.gather [hbm4b:s3+s20], $0x80, s30, s20, $0xb8;
	[tilespmem:$0x18400] =	vst v63  }
0xbe: {  	_ = 	snop  }
0xbf: {  	[tilespmem:s19], [sflag:$0x6] =	stream.indirect.gather [hbm4b:s4+s20], $0x80, s30, s20, $0xb8;
	[tilespmem:$0x18400] =	vst v63  }
0xc0: {  	_ =	swait.ge [sflag:s18], $0x4000  }
0xc1: {  	[sflag:s18] =	ssyncset.done $0x0  }
0xc2: {  	s0 =	rddreg [dreg:$0x7];
	[sflag:s18] =	ssyncadd.s32 $0xFFFFC000  }
0xc3: {  	[hbm4b:s0+s2] =	stream.linear.scatter [tilespmem:s15], [sflag:$0x7], $0x4000, $0x38;
	[tilespmem:$0x18400] =	vst v63  }
0xc4: {  	_ =	swait.ge [sflag:s17], $0x4000  }
0xc5: {  	[sflag:s17] =	ssyncset.done $0x0  }
0xc6: {  	s0 =	rddreg [dreg:$0x8];
	[sflag:s17] =	ssyncadd.s32 $0xFFFFC000  }
0xc7: {  	[hbm4b:s0+s2] =	stream.linear.scatter [tilespmem:s13], [sflag:$0xA], $0x4000, $0x38;
	[tilespmem:$0x18400] =	vst v63  }
0xc8: {  	_ =	swait.ge [sflag:s10], $0x4000  }
0xc9: {  	[sflag:s10] =	ssyncset.done $0x0  }
0xca: {  	[sflag:s10] =	ssyncadd.s32 $0xFFFFC000  }
0xcb: {  	_ =	swait.ge [sflag:s7], $0x4000  }
0xcc: {  	[sflag:s7] =	ssyncset.done $0x0  }
0xcd: {  	[sflag:s7] =	ssyncadd.s32 $0xFFFFC000  }
0xce: {  	[tilespmem:s15], [sflag:$0x1] =	stream.indirect.gather [hbm4b:s3+s20], $0x80, s29, s20, $0xb8;
	[tilespmem:$0x18400] =	vst v63  }
0xcf: {  	_ = 	snop  }
0xd0: {  	[tilespmem:s13], [sflag:$0x4] =	stream.indirect.gather [hbm4b:s4+s20], $0x80, s29, s20, $0xb8;
	[tilespmem:$0x18400] =	vst v63  }
0xd1: {  	_ =	swait.ge [sflag:s16], $0x4000  }
0xd2: {  	[sflag:s16] =	ssyncset.done $0x0  }
0xd3: {  	s0 =	rddreg [dreg:$0x9];
	[sflag:s16] =	ssyncadd.s32 $0xFFFFC000  }
0xd4: {  	[hbm4b:s0+s2] =	stream.linear.scatter [tilespmem:s12], [sflag:$0x8], $0x4000, $0x38;
	[tilespmem:$0x18400] =	vst v63  }
0xd5: {  	_ =	swait.ge [sflag:s14], $0x4000  }
0xd6: {  	[sflag:s14] =	ssyncset.done $0x0  }
0xd7: {  	s0 =	rddreg [dreg:$0xa];
	[sflag:s14] =	ssyncadd.s32 $0xFFFFC000  }
0xd8: {  	[hbm4b:s0+s2] =	stream.linear.scatter [tilespmem:s5], [sflag:$0xB], $0x4000, $0x38;
	[tilespmem:$0x18400] =	vst v63  }
0xd9: {  	_ =	swait.ge [sflag:s9], $0x4000  }
0xda: {  	[sflag:s9] =	ssyncset.done $0x0  }
0xdb: {  	[sflag:s9] =	ssyncadd.s32 $0xFFFFC000  }
0xdc: {  	_ =	swait.ge [sflag:s6], $0x4000  }
0xdd: {  	[sflag:s6] =	ssyncset.done $0x0  }
0xde: {  	[sflag:s6] =	ssyncadd.s32 $0xFFFFC000  }
0xdf: {  	[tilespmem:s12], [sflag:$0x2] =	stream.indirect.gather [hbm4b:s3+s20], $0x80, s26, s20, $0xb8;
	[tilespmem:$0x18400] =	vst v63  }
0xe0: {  	_ = 	snop  }
0xe1: {  	[tilespmem:s5], [sflag:$0x5] =	stream.indirect.gather [hbm4b:s4+s20], $0x80, s26, s20, $0xb8;
	[tilespmem:$0x18400] =	vst v63  }
0xe2: {  	_ =	swait.ge [sflag:s23], $0x4000  }
0xe3: {  	[sflag:s23] =	ssyncset.done $0x0  }
0xe4: {  	s0 =	rddreg [dreg:$0xb];
	[sflag:s23] =	ssyncadd.s32 $0xFFFFC000  }
0xe5: {  	[hbm4b:s0+s2] =	stream.linear.scatter [tilespmem:s21], [sflag:$0x9], $0x4000, $0x38;
	[tilespmem:$0x18400] =	vst v63  }
0xe6: {  	_ =	swait.ge [sflag:s22], $0x4000  }
0xe7: {  	[sflag:s22] =	ssyncset.done $0x0  }
0xe8: {  	s0 =	rddreg [dreg:$0xc];
	[sflag:s22] =	ssyncadd.s32 $0xFFFFC000  }
0xe9: {  	[hbm4b:s0+s2] =	stream.linear.scatter [tilespmem:s19], [sflag:$0xC], $0x4000, $0x38;
	[tilespmem:$0x18400] =	vst v63  }
0xea: {  	_ =	swait.ge [sflag:s11], $0x4000  }
0xeb: {  	[sflag:s11] =	ssyncset.done $0x0  }
0xec: {  	[sflag:s11] =	ssyncadd.s32 $0xFFFFC000  }
0xed: {  	_ =	swait.ge [sflag:s8], $0x4000  }
0xee: {  	[sflag:s8] =	ssyncset.done $0x0  }
0xef: {  	[sflag:s8] =	ssyncadd.s32 $0xFFFFC000  }
0xf0: {  	[tilespmem:s21], [sflag:$0x3] =	stream.indirect.gather [hbm4b:s3+s20], $0x80, s28, s20, $0xb8;
	[tilespmem:$0x18400] =	vst v63  }
0xf1: {  	_ = 	snop  }
0xf2: {  	[tilespmem:s19], [sflag:$0x6] =	stream.indirect.gather [hbm4b:s4+s20], $0x80, s28, s20, $0xb8;
	[tilespmem:$0x18400] =	vst v63  }
0xf3: {  	_ =	swait.ge [sflag:s18], $0x4000  }
0xf4: {  	[sflag:s18] =	ssyncset.done $0x0  }
0xf5: {  	s0 =	rddreg [dreg:$0xd];
	[sflag:s18] =	ssyncadd.s32 $0xFFFFC000  }
0xf6: {  	[hbm4b:s0+s2] =	stream.linear.scatter [tilespmem:s15], [sflag:$0x7], $0x4000, $0x38;
	[tilespmem:$0x18400] =	vst v63  }
0xf7: {  	_ =	swait.ge [sflag:s17], $0x4000  }
0xf8: {  	[sflag:s17] =	ssyncset.done $0x0  }
0xf9: {  	s0 =	rddreg [dreg:$0xe];
	[sflag:s17] =	ssyncadd.s32 $0xFFFFC000  }
0xfa: {  	[hbm4b:s0+s2] =	stream.linear.scatter [tilespmem:s13], [sflag:$0xA], $0x4000, $0x38;
	[tilespmem:$0x18400] =	vst v63  }
0xfb: {  	_ =	swait.ge [sflag:s10], $0x4000  }
0xfc: {  	[sflag:s10] =	ssyncset.done $0x0  }
0xfd: {  	[sflag:s10] =	ssyncadd.s32 $0xFFFFC000  }
0xfe: {  	_ =	swait.ge [sflag:s7], $0x4000  }
0xff: {  	[sflag:s7] =	ssyncset.done $0x0  }
0x100: {  	[sflag:s7] =	ssyncadd.s32 $0xFFFFC000  }
0x101: {  	[tilespmem:s15], [sflag:$0x1] =	stream.indirect.gather [hbm4b:s3+s20], $0x80, s25, s20, $0xb8;
	[tilespmem:$0x18400] =	vst v63  }
0x102: {  	_ = 	snop  }
0x103: {  	[tilespmem:s13], [sflag:$0x4] =	stream.indirect.gather [hbm4b:s4+s20], $0x80, s25, s20, $0xb8;
	[tilespmem:$0x18400] =	vst v63  }
0x104: {  	_ =	swait.ge [sflag:s16], $0x4000  }
0x105: {  	[sflag:s16] =	ssyncset.done $0x0  }
0x106: {  	s0 =	rddreg [dreg:$0xf];
	[sflag:s16] =	ssyncadd.s32 $0xFFFFC000  }
0x107: {  	[hbm4b:s0+s2] =	stream.linear.scatter [tilespmem:s12], [sflag:$0x8], $0x4000, $0x38;
	[tilespmem:$0x18400] =	vst v63  }
0x108: {  	_ =	swait.ge [sflag:s14], $0x4000  }
0x109: {  	[sflag:s14] =	ssyncset.done $0x0  }
0x10a: {  	s0 =	rddreg [dreg:$0x10];
	[sflag:s14] =	ssyncadd.s32 $0xFFFFC000  }
0x10b: {  	[hbm4b:s0+s2] =	stream.linear.scatter [tilespmem:s5], [sflag:$0xB], $0x4000, $0x38;
	[tilespmem:$0x18400] =	vst v63  }
0x10c: {  	_ =	swait.ge [sflag:s9], $0x4000  }
0x10d: {  	[sflag:s9] =	ssyncset.done $0x0  }
0x10e: {  	[sflag:s9] =	ssyncadd.s32 $0xFFFFC000  }
0x10f: {  	_ =	swait.ge [sflag:s6], $0x4000  }
0x110: {  	[sflag:s6] =	ssyncset.done $0x0  }
0x111: {  	[sflag:s6] =	ssyncadd.s32 $0xFFFFC000  }
0x112: {  	[tilespmem:s12], [sflag:$0x2] =	stream.indirect.gather [hbm4b:s3+s20], $0x80, s24, s20, $0xb8;
	[tilespmem:$0x18400] =	vst v63  }
0x113: {  	_ = 	snop  }
0x114: {  	[tilespmem:s5], [sflag:$0x5] =	stream.indirect.gather [hbm4b:s4+s20], $0x80, s24, s20, $0xb8;
	[tilespmem:$0x18400] =	vst v63  }
0x115: {  	_ =	swait.ge [sflag:s23], $0x4000  }
0x116: {  	[sflag:s23] =	ssyncset.done $0x0  }
0x117: {  	s0 =	rddreg [dreg:$0x11];
	[sflag:s23] =	ssyncadd.s32 $0xFFFFC000  }
0x118: {  	[hbm4b:s0+s2] =	stream.linear.scatter [tilespmem:s21], [sflag:$0x9], $0x4000, $0x38;
	[tilespmem:$0x18400] =	vst v63  }
0x119: {  	_ =	swait.ge [sflag:s22], $0x4000  }
0x11a: {  	[sflag:s22] =	ssyncset.done $0x0  }
0x11b: {  	s0 =	rddreg [dreg:$0x12];
	[sflag:s22] =	ssyncadd.s32 $0xFFFFC000  }
0x11c: {  	[hbm4b:s0+s2] =	stream.linear.scatter [tilespmem:s19], [sflag:$0xC], $0x4000, $0x38;
	[tilespmem:$0x18400] =	vst v63  }
0x11d: {  	_ =	swait.ge [sflag:s18], $0x4000  }
0x11e: {  	[sflag:s18] =	ssyncset.done $0x0  }
0x11f: {  	s0 =	rddreg [dreg:$0x13];
	[sflag:s18] =	ssyncadd.s32 $0xFFFFC000  }
0x120: {  	[hbm4b:s0+s2] =	stream.linear.scatter [tilespmem:s15], [sflag:$0x7], $0x4000, $0x38;
	[tilespmem:$0x18400] =	vst v63  }
0x121: {  	_ =	swait.ge [sflag:s17], $0x4000  }
0x122: {  	[sflag:s17] =	ssyncset.done $0x0  }
0x123: {  	s0 =	rddreg [dreg:$0x14];
	[sflag:s17] =	ssyncadd.s32 $0xFFFFC000  }
0x124: {  	[hbm4b:s0+s2] =	stream.linear.scatter [tilespmem:s13], [sflag:$0xA], $0x4000, $0x38;
	[tilespmem:$0x18400] =	vst v63  }
0x125: {  	_ =	swait.ge [sflag:s16], $0x4000  }
0x126: {  	[sflag:s16] =	ssyncset.done $0x0  }
0x127: {  	s0 =	rddreg [dreg:$0x15];
	[sflag:s16] =	ssyncadd.s32 $0xFFFFC000  }
0x128: {  	[hbm4b:s0+s2] =	stream.linear.scatter [tilespmem:s12], [sflag:$0x8], $0x4000, $0x38;
	[tilespmem:$0x18400] =	vst v63  }
0x129: {  	_ =	swait.ge [sflag:s14], $0x4000  }
0x12a: {  	[sflag:s14] =	ssyncset.done $0x0  }
0x12b: {  	s0 =	rddreg [dreg:$0x16];
	[sflag:s14] =	ssyncadd.s32 $0xFFFFC000  }
0x12c: {  	[hbm4b:s0+s2] =	stream.linear.scatter [tilespmem:s5], [sflag:$0xB], $0x4000, $0x38;
	[tilespmem:$0x18400] =	vst v63  }
0x12d: {  	_ =	swait.ge [sflag:s10], $0x4000  }
0x12e: {  	[sflag:s10] =	ssyncset.done $0x0  }
0x12f: {  	[sflag:s10] =	ssyncadd.s32 $0xFFFFC000  }
0x130: {  	_ =	swait.ge [sflag:s7], $0x4000  }
0x131: {  	[sflag:s7] =	ssyncset.done $0x0  }
0x132: {  	[sflag:s7] =	ssyncadd.s32 $0xFFFFC000  }
0x133: {  	_ =	swait.ge [sflag:s9], $0x4000  }
0x134: {  	[sflag:s9] =	ssyncset.done $0x0  }
0x135: {  	[sflag:s9] =	ssyncadd.s32 $0xFFFFC000  }
0x136: {  	_ =	swait.ge [sflag:s6], $0x4000  }
0x137: {  	[sflag:s6] =	ssyncset.done $0x0  }
0x138: {  	p1 =	sne.s32 s1, $0x1;
	[sflag:s6] =	ssyncadd.s32 $0xFFFFC000  }
.Ltmp2:
0x139: {  	_ =	swait.ge [sflag:s11], $0x4000;
	(pc) =	sbr.rel @p1 .LBB2_2-.Ltmp2, $4  }
0x13a: {  	[sflag:s11] =	ssyncset.done $0x0  }
0x13b: {  	[sflag:s11] =	ssyncadd.s32 $0xFFFFC000  }
0x13c: {  	_ =	swait.ge [sflag:s8], $0x4000  }
0x13d: {  	s1 =	sadd.s32 $0xFFFFFFFF, s1;
	s0 =	rddreg [dreg:$0x6];
	[sflag:s8] =	ssyncset.done $0x0  }
.LBB2_3:
0x13e: {  	[sflag:s8] =	ssyncadd.s32 @p0 $0xFFFFC000  }
0x13f: {  	[tilespmem:s2], [sflag:$0xD] =	stream.strided.gather [hbm4b:s0+s20], $0x400, s26, s20, $0x38;
	[tilespmem:$0x18400] =	vst v63  }
0x140: {  	_ =	swait.ge [sflag:s31], $0x400  }
0x141: {  	[sflag:s31] =	ssyncset.done $0x0  }
0x142: {  	[sflag:s31] =	ssyncadd.s32 $0xFFFFFC00  }
0x143: {  	[tilespmem:s15], [sflag:$0x1] =	stream.indirect.gather [hbm4b:s3+s20], $0x80, s2, s20, $0xb8;
	[tilespmem:$0x18400] =	vst v63  }
0x144: {  	_ = 	snop  }
0x145: {  	[tilespmem:s13], [sflag:$0x4] =	stream.indirect.gather [hbm4b:s4+s20], $0x80, s2, s20, $0xb8;
	[tilespmem:$0x18400] =	vst v63  }
0x146: {  	_ = 	snop  }
0x147: {  	[tilespmem:s12], [sflag:$0x2] =	stream.indirect.gather [hbm4b:s3+s20], $0x80, s20, s20, $0xb8;
	[tilespmem:$0x18400] =	vst v63  }
0x148: {  	_ = 	snop  }
0x149: {  	[tilespmem:s5], [sflag:$0x5] =	stream.indirect.gather [hbm4b:s4+s20], $0x80, s20, s20, $0xb8;
	[tilespmem:$0x18400] =	vst v63  }
0x14a: {  	_ = 	snop  }
0x14b: {  	[tilespmem:s21], [sflag:$0x3] =	stream.indirect.gather [hbm4b:s3+s20], $0x80, s30, s20, $0xb8;
	[tilespmem:$0x18400] =	vst v63  }
0x14c: {  	_ = 	snop  }
0x14d: {  	[tilespmem:s19], [sflag:$0x6] =	stream.indirect.gather [hbm4b:s4+s20], $0x80, s30, s20, $0xb8;
	[tilespmem:$0x18400] =	vst v63  }
0x14e: {  	_ =	swait.ge [sflag:s18], $0x4000  }
0x14f: {  	[sflag:s18] =	ssyncset.done $0x0  }
0x150: {  	s31 =	rddreg [dreg:$0x7];
	[sflag:s18] =	ssyncadd.s32 $0xFFFFC000  }
0x151: {  	[hbm4b:s31+s2] =	stream.linear.scatter [tilespmem:s15], [sflag:$0x7], $0x4000, $0x38;
	[tilespmem:$0x18400] =	vst v63  }
0x152: {  	_ =	swait.ge [sflag:s17], $0x4000  }
0x153: {  	[sflag:s17] =	ssyncset.done $0x0  }
0x154: {  	s1 =	rddreg [dreg:$0x8];
	[sflag:s17] =	ssyncadd.s32 $0xFFFFC000  }
0x155: {  	[hbm4b:s1+s2] =	stream.linear.scatter [tilespmem:s13], [sflag:$0xA], $0x4000, $0x38;
	[tilespmem:$0x18400] =	vst v63  }
0x156: {  	_ =	swait.ge [sflag:s10], $0x4000  }
0x157: {  	[sflag:s10] =	ssyncset.done $0x0  }
0x158: {  	[sflag:s10] =	ssyncadd.s32 $0xFFFFC000  }
0x159: {  	_ =	swait.ge [sflag:s7], $0x4000  }
0x15a: {  	[sflag:s7] =	ssyncset.done $0x0  }
0x15b: {  	[sflag:s7] =	ssyncadd.s32 $0xFFFFC000  }
0x15c: {  	[tilespmem:s15], [sflag:$0x1] =	stream.indirect.gather [hbm4b:s3+s20], $0x80, s29, s20, $0xb8;
	[tilespmem:$0x18400] =	vst v63  }
0x15d: {  	_ = 	snop  }
0x15e: {  	[tilespmem:s13], [sflag:$0x4] =	stream.indirect.gather [hbm4b:s4+s20], $0x80, s29, s20, $0xb8;
	[tilespmem:$0x18400] =	vst v63  }
0x15f: {  	_ =	swait.ge [sflag:s16], $0x4000  }
0x160: {  	[sflag:s16] =	ssyncset.done $0x0  }
0x161: {  	s30 =	rddreg [dreg:$0x9];
	[sflag:s16] =	ssyncadd.s32 $0xFFFFC000  }
0x162: {  	[hbm4b:s30+s2] =	stream.linear.scatter [tilespmem:s12], [sflag:$0x8], $0x4000, $0x38;
	[tilespmem:$0x18400] =	vst v63  }
0x163: {  	_ =	swait.ge [sflag:s14], $0x4000  }
0x164: {  	[sflag:s14] =	ssyncset.done $0x0  }
0x165: {  	s31 =	rddreg [dreg:$0xa];
	[sflag:s14] =	ssyncadd.s32 $0xFFFFC000  }
0x166: {  	[hbm4b:s31+s2] =	stream.linear.scatter [tilespmem:s5], [sflag:$0xB], $0x4000, $0x38;
	[tilespmem:$0x18400] =	vst v63  }
0x167: {  	_ =	swait.ge [sflag:s9], $0x4000  }
0x168: {  	[sflag:s9] =	ssyncset.done $0x0  }
0x169: {  	[sflag:s9] =	ssyncadd.s32 $0xFFFFC000  }
0x16a: {  	_ =	swait.ge [sflag:s6], $0x4000  }
0x16b: {  	[sflag:s6] =	ssyncset.done $0x0  }
0x16c: {  	[sflag:s6] =	ssyncadd.s32 $0xFFFFC000  }
0x16d: {  	[tilespmem:s12], [sflag:$0x2] =	stream.indirect.gather [hbm4b:s3+s20], $0x80, s26, s20, $0xb8;
	[tilespmem:$0x18400] =	vst v63  }
0x16e: {  	_ = 	snop  }
0x16f: {  	[tilespmem:s5], [sflag:$0x5] =	stream.indirect.gather [hbm4b:s4+s20], $0x80, s26, s20, $0xb8;
	[tilespmem:$0x18400] =	vst v63  }
0x170: {  	_ =	swait.ge [sflag:s23], $0x4000  }
0x171: {  	[sflag:s23] =	ssyncset.done $0x0  }
0x172: {  	s1 =	rddreg [dreg:$0xb];
	[sflag:s23] =	ssyncadd.s32 $0xFFFFC000  }
0x173: {  	[hbm4b:s1+s2] =	stream.linear.scatter [tilespmem:s21], [sflag:$0x9], $0x4000, $0x38;
	[tilespmem:$0x18400] =	vst v63  }
0x174: {  	_ =	swait.ge [sflag:s22], $0x4000  }
0x175: {  	[sflag:s22] =	ssyncset.done $0x0  }
0x176: {  	s26 =	rddreg [dreg:$0xc];
	[sflag:s22] =	ssyncadd.s32 $0xFFFFC000  }
0x177: {  	[hbm4b:s26+s2] =	stream.linear.scatter [tilespmem:s19], [sflag:$0xC], $0x4000, $0x38;
	[tilespmem:$0x18400] =	vst v63  }
0x178: {  	_ =	swait.ge [sflag:s11], $0x4000  }
0x179: {  	[sflag:s11] =	ssyncset.done $0x0  }
0x17a: {  	[sflag:s11] =	ssyncadd.s32 $0xFFFFC000  }
0x17b: {  	_ =	swait.ge [sflag:s8], $0x4000  }
0x17c: {  	[sflag:s8] =	ssyncset.done $0x0  }
0x17d: {  	[sflag:s8] =	ssyncadd.s32 $0xFFFFC000  }
0x17e: {  	[tilespmem:s21], [sflag:$0x3] =	stream.indirect.gather [hbm4b:s3+s20], $0x80, s28, s20, $0xb8;
	[tilespmem:$0x18400] =	vst v63  }
0x17f: {  	_ = 	snop  }
0x180: {  	[tilespmem:s19], [sflag:$0x6] =	stream.indirect.gather [hbm4b:s4+s20], $0x80, s28, s20, $0xb8;
	[tilespmem:$0x18400] =	vst v63  }
0x181: {  	_ =	swait.ge [sflag:s18], $0x4000  }
0x182: {  	[sflag:s18] =	ssyncset.done $0x0  }
0x183: {  	s29 =	rddreg [dreg:$0xd];
	[sflag:s18] =	ssyncadd.s32 $0xFFFFC000  }
0x184: {  	[hbm4b:s29+s2] =	stream.linear.scatter [tilespmem:s15], [sflag:$0x7], $0x4000, $0x38;
	[tilespmem:$0x18400] =	vst v63  }
0x185: {  	_ =	swait.ge [sflag:s17], $0x4000  }
0x186: {  	[sflag:s17] =	ssyncset.done $0x0  }
0x187: {  	s30 =	rddreg [dreg:$0xe];
	[sflag:s17] =	ssyncadd.s32 $0xFFFFC000  }
0x188: {  	[hbm4b:s30+s2] =	stream.linear.scatter [tilespmem:s13], [sflag:$0xA], $0x4000, $0x38;
	[tilespmem:$0x18400] =	vst v63  }
0x189: {  	_ =	swait.ge [sflag:s10], $0x4000  }
0x18a: {  	[sflag:s10] =	ssyncset.done $0x0  }
0x18b: {  	[sflag:s10] =	ssyncadd.s32 $0xFFFFC000  }
0x18c: {  	_ =	swait.ge [sflag:s7], $0x4000  }
0x18d: {  	[sflag:s7] =	ssyncset.done $0x0  }
0x18e: {  	[sflag:s7] =	ssyncadd.s32 $0xFFFFC000  }
0x18f: {  	[tilespmem:s15], [sflag:$0x1] =	stream.indirect.gather [hbm4b:s3+s20], $0x80, s25, s20, $0xb8;
	[tilespmem:$0x18400] =	vst v63  }
0x190: {  	_ = 	snop  }
0x191: {  	[tilespmem:s13], [sflag:$0x4] =	stream.indirect.gather [hbm4b:s4+s20], $0x80, s25, s20, $0xb8;
	[tilespmem:$0x18400] =	vst v63  }
0x192: {  	_ =	swait.ge [sflag:s16], $0x4000  }
0x193: {  	[sflag:s16] =	ssyncset.done $0x0  }
0x194: {  	s31 =	rddreg [dreg:$0xf];
	[sflag:s16] =	ssyncadd.s32 $0xFFFFC000  }
0x195: {  	[hbm4b:s31+s2] =	stream.linear.scatter [tilespmem:s12], [sflag:$0x8], $0x4000, $0x38;
	[tilespmem:$0x18400] =	vst v63  }
0x196: {  	_ =	swait.ge [sflag:s14], $0x4000  }
0x197: {  	[sflag:s14] =	ssyncset.done $0x0  }
0x198: {  	s1 =	rddreg [dreg:$0x10];
	[sflag:s14] =	ssyncadd.s32 $0xFFFFC000  }
0x199: {  	[hbm4b:s1+s2] =	stream.linear.scatter [tilespmem:s5], [sflag:$0xB], $0x4000, $0x38;
	[tilespmem:$0x18400] =	vst v63  }
0x19a: {  	_ =	swait.ge [sflag:s9], $0x4000  }
0x19b: {  	[sflag:s9] =	ssyncset.done $0x0  }
0x19c: {  	[sflag:s9] =	ssyncadd.s32 $0xFFFFC000  }
0x19d: {  	_ =	swait.ge [sflag:s6], $0x4000  }
0x19e: {  	[sflag:s6] =	ssyncset.done $0x0  }
0x19f: {  	[sflag:s6] =	ssyncadd.s32 $0xFFFFC000  }
0x1a0: {  	[tilespmem:s12], [sflag:$0x2] =	stream.indirect.gather [hbm4b:s3+s20], $0x80, s24, s20, $0xb8;
	[tilespmem:$0x18400] =	vst v63  }
0x1a1: {  	_ = 	snop  }
0x1a2: {  	[tilespmem:s5], [sflag:$0x5] =	stream.indirect.gather [hbm4b:s4+s20], $0x80, s24, s20, $0xb8;
	[tilespmem:$0x18400] =	vst v63  }
0x1a3: {  	_ =	swait.ge [sflag:s23], $0x4000  }
0x1a4: {  	[sflag:s23] =	ssyncset.done $0x0  }
0x1a5: {  	s24 =	rddreg [dreg:$0x11];
	[sflag:s23] =	ssyncadd.s32 $0xFFFFC000  }
0x1a6: {  	[hbm4b:s24+s2] =	stream.linear.scatter [tilespmem:s21], [sflag:$0x9], $0x4000, $0x38;
	[tilespmem:$0x18400] =	vst v63  }
0x1a7: {  	_ =	swait.ge [sflag:s22], $0x4000  }
0x1a8: {  	[sflag:s22] =	ssyncset.done $0x0  }
0x1a9: {  	s25 =	rddreg [dreg:$0x12];
	[sflag:s22] =	ssyncadd.s32 $0xFFFFC000  }
0x1aa: {  	[hbm4b:s25+s2] =	stream.linear.scatter [tilespmem:s19], [sflag:$0xC], $0x4000, $0x38;
	[tilespmem:$0x18400] =	vst v63  }
0x1ab: {  	_ =	swait.ge [sflag:s18], $0x4000  }
0x1ac: {  	[sflag:s18] =	ssyncset.done $0x0  }
0x1ad: {  	s26 =	rddreg [dreg:$0x13];
	[sflag:s18] =	ssyncadd.s32 $0xFFFFC000  }
0x1ae: {  	[hbm4b:s26+s2] =	stream.linear.scatter [tilespmem:s15], [sflag:$0x7], $0x4000, $0x38;
	[tilespmem:$0x18400] =	vst v63  }
0x1af: {  	_ =	swait.ge [sflag:s17], $0x4000  }
0x1b0: {  	[sflag:s17] =	ssyncset.done $0x0  }
0x1b1: {  	s28 =	rddreg [dreg:$0x14];
	[sflag:s17] =	ssyncadd.s32 $0xFFFFC000  }
0x1b2: {  	[hbm4b:s28+s2] =	stream.linear.scatter [tilespmem:s13], [sflag:$0xA], $0x4000, $0x38;
	[tilespmem:$0x18400] =	vst v63  }
0x1b3: {  	_ =	swait.ge [sflag:s16], $0x4000  }
0x1b4: {  	[sflag:s16] =	ssyncset.done $0x0  }
0x1b5: {  	s29 =	rddreg [dreg:$0x15];
	[sflag:s16] =	ssyncadd.s32 $0xFFFFC000  }
0x1b6: {  	[hbm4b:s29+s2] =	stream.linear.scatter [tilespmem:s12], [sflag:$0x8], $0x4000, $0x38;
	[tilespmem:$0x18400] =	vst v63  }
0x1b7: {  	_ =	swait.ge [sflag:s14], $0x4000  }
0x1b8: {  	[sflag:s14] =	ssyncset.done $0x0  }
0x1b9: {  	s30 =	rddreg [dreg:$0x16];
	[sflag:s14] =	ssyncadd.s32 $0xFFFFC000  }
0x1ba: {  	[hbm4b:s30+s2] =	stream.linear.scatter [tilespmem:s5], [sflag:$0xB], $0x4000, $0x38;
	[tilespmem:$0x18400] =	vst v63  }
0x1bb: {  	_ =	swait.ge [sflag:s10], $0x4000  }
0x1bc: {  	[sflag:s10] =	ssyncset.done $0x0  }
0x1bd: {  	[sflag:s10] =	ssyncadd.s32 $0xFFFFC000  }
0x1be: {  	_ =	swait.ge [sflag:s7], $0x4000  }
0x1bf: {  	[sflag:s7] =	ssyncset.done $0x0  }
0x1c0: {  	[sflag:s7] =	ssyncadd.s32 $0xFFFFC000  }
0x1c1: {  	_ =	swait.ge [sflag:s9], $0x4000  }
0x1c2: {  	[sflag:s9] =	ssyncset.done $0x0  }
0x1c3: {  	[sflag:s9] =	ssyncadd.s32 $0xFFFFC000  }
0x1c4: {  	_ =	swait.ge [sflag:s6], $0x4000  }
0x1c5: {  	[sflag:s6] =	ssyncset.done $0x0  }
0x1c6: {  	[sflag:s6] =	ssyncadd.s32 $0xFFFFC000  }
0x1c7: {  	_ =	swait.ge [sflag:s11], $0x4000  }
0x1c8: {  	[sflag:s11] =	ssyncset.done $0x0  }
0x1c9: {  	[sflag:s11] =	ssyncadd.s32 $0xFFFFC000  }
0x1ca: {  	_ =	swait.ge [sflag:s8], $0x4000  }
0x1cb: {  	[sflag:s8] =	ssyncset.done $0x0  }
0x1cc: {  	[sflag:s8] =	ssyncadd.s32 $0xFFFFC000  }
0x1cd: {  	_ =	sfence.sel $0x180000  }
0x1ce: {  	[bflag:$0x0] =	sbarrier.arrive $0xFFFF  }
0x1cf: {  	_ =	strace $0x90000047  }
0x1d0: {  	s31 =	stileid.u32;
	[bflag:$0x2] =	sbarrier.arrive $0xFFFF  }
0x1d1: {  	p0 =	sne.s32 s31, $0x0;
	s0 =	rddreg [dreg:$0x5]  }
0x1d2: {  	s0 =	sadd.s32 @!p0 $0x100000, s0  }
0x1d3: {  	[sflag:s0] =	ssyncadd.tile.s32 @!p0 $0x1;
	_ =	shalt  }
.Lfunc_end2:
_tile_overlayer_lowered:
.L_overlay_start_2:
0x1d4: {  	(tag) =	ssettag $0x2  }
0x1d5: {  	s0 =	rddreg [dreg:$0x0];
	s2 =	stileid.u32  }
0x1d6: {  	s1 =	rddreg [dreg:$0x1];
	p0 =	sne.s32 s2, $0x0  }
0x1d7: {  	s3 =	rddreg [dreg:$0x2];
	[bflag:$0x3] =	sbarrier.arrive $0xFFFF;
	s2 =	simm.s32 @!p0 $0x1C0D  }
0x1d8: {  	[timem:s3], [sflag:s2] =	dma.local @!p0 [hbm:s0], s1  }
0x1d9: {  	s0 =	simm.s32 @!p0 $0xD  }
0x1da: {  	_ =	swait.ge @!p0 [sflag:s0], s1  }
0x1db: {  	s1 =	ssub.s32 @!p0 $0x0, s1;
	[sflag:s0] =	ssyncset.done @!p0 $0x0  }
0x1dc: {  	[sflag:s0] =	ssyncadd.s32 @!p0 s1  }
0x1dd: {  	[bflag:$0x3] =	sbarrier.arrive $0xFFFF  }
0x1de: {  	_ =	shalt  }

</sc_bundles>
